<compile_context>
chip_gen: v7x
topology: tpu7x:2x2x1
jax: 0.10.2.dev20260603
libtpu: 0.0.44.dev20260713+nightly
codegen_flags: <defaults>
</compile_context>

<pallas_src>
import math

import jax
import jax.numpy as jnp
import numpy as np
from jax import lax
from jax.experimental import pallas as pl
from jax.experimental.pallas import tpu as pltpu
from jax.experimental.pallas import tpu_sc as plsc

NUM_CLASSES = 1000
PROJECT_DIM = 64
BATCH = 1024

_PAD_CLASSES = 1024
_NUM_CORES = 2
_NUM_SUBCORES = 16
_NUM_WORKERS = _NUM_CORES * _NUM_SUBCORES
_ROWS_PER_WORKER = _PAD_CLASSES // _NUM_WORKERS
_LANES = 16
_VCHUNKS = PROJECT_DIM // _LANES

_N_TERMS = 50
_S = 0.5 * PROJECT_DIM - 1.0
_GAMMA_C = np.array(
    [math.lgamma(k + 1.0) + math.lgamma(_S + k + 1.0) for k in range(_N_TERMS)],
    dtype=np.float32,
).reshape(_N_TERMS, 1)
_COEF = np.array([_S + 2.0 * k for k in range(_N_TERMS)], dtype=np.float32).reshape(
    _N_TERMS, 1
)
_LOG2 = math.log(2.0)
_D_CONST = PROJECT_DIM * (-0.5 * math.log(2.0 * math.pi))


def _rsqrt_nr(x):
    xi = lax.bitcast_convert_type(x, jnp.int32)
    y = lax.bitcast_convert_type(jnp.int32(0x5F3759DF) - (xi >> 1), jnp.float32)
    for _ in range(3):
        y = y * (1.5 - 0.5 * x * y * y)
    return y


def _lane_total(v):
    base = lax.iota(jnp.int32, _LANES)
    for sh in (8, 4, 2, 1):
        v = v + jnp.take(v, (base + sh) % _LANES, axis=0)
    return v


_CHUNK_ROWS = 128
_N_CHUNKS = BATCH // _CHUNK_ROWS
_BLOCKS_PER_CHUNK = _CHUNK_ROWS // _LANES


def _sc_update_body(
    feat_hbm, tgt_hbm, proto_hbm, out_hbm, tgt_v, proto_v, fbuf, sem_t, sem_p, sem_f
):
    c = lax.axis_index("c")
    s = lax.axis_index("s")
    wid = s * _NUM_CORES + c
    base = wid * _ROWS_PER_WORKER
    lo = base
    hi = base + _ROWS_PER_WORKER

    cp_t = pltpu.make_async_copy(tgt_hbm, tgt_v.at[pl.ds(0, BATCH)], sem_t)
    cp_p = pltpu.make_async_copy(
        proto_hbm.at[pl.ds(base, _ROWS_PER_WORKER)], proto_v, sem_p
    )
    cp_f = pltpu.make_async_copy(feat_hbm, fbuf, sem_f)
    cp_t.start()
    cp_p.start()
    cp_f.start()
    cp_t.wait()
    cp_p.wait()
    cp_f.wait()

    def blk(b, carry):
        i0 = b * _LANES
        v = tgt_v[pl.ds(i0, _LANES)]
        hitf = jnp.where((v >= lo) & (v < hi), 1.0, 0.0)

        @pl.when(_lane_total(hitf)[0] > 0.5)
        def _():
            def lane_step(l, carry2):
                t = tgt_v[pl.ds(i0 + l, _LANES)][0]

                @pl.when((t >= lo) & (t < hi))
                def _():
                    r = t - lo
                    lrow = i0 + l
                    q = lrow >> 2
                    off = (lrow & 3) * (PROJECT_DIM // 2)
                    w0 = fbuf[q, pl.ds(off, _LANES)]
                    w1 = fbuf[q, pl.ds(off + _LANES, _LANES)]
                    sv = [
                        lax.bitcast_convert_type(w0 << 16, jnp.float32),
                        lax.bitcast_convert_type(
                            w0 & jnp.int32(-65536), jnp.float32
                        ),
                        lax.bitcast_convert_type(w1 << 16, jnp.float32),
                        lax.bitcast_convert_type(
                            w1 & jnp.int32(-65536), jnp.float32
                        ),
                    ]
                    ss = _lane_total(sum(x * x for x in sv))
                    inv_s = _rsqrt_nr(jnp.maximum(ss, 1e-24))
                    uv = [
                        0.05 * (sv[j] * inv_s)
                        + 0.95 * proto_v[r, pl.ds(_LANES * j, _LANES)]
                        for j in range(_VCHUNKS)
                    ]
                    us = _lane_total(sum(u * u for u in uv))
                    inv_u = _rsqrt_nr(jnp.maximum(us, 1e-24))
                    for j in range(_VCHUNKS):
                        proto_v[r, pl.ds(_LANES * j, _LANES)] = uv[j] * inv_u

                return carry2

            lax.fori_loop(0, _LANES, lane_step, 0)

        return carry

    lax.fori_loop(0, BATCH // _LANES, blk, 0)
    pltpu.sync_copy(proto_v, out_hbm.at[pl.ds(base, _ROWS_PER_WORKER)])


def _sc_update(features, targets, protos_pad):
    mesh = plsc.VectorSubcoreMesh(
        core_axis_name="c",
        subcore_axis_name="s",
        num_cores=_NUM_CORES,
        num_subcores=_NUM_SUBCORES,
    )
    return pl.kernel(
        _sc_update_body,
        out_type=jax.ShapeDtypeStruct((_PAD_CLASSES, PROJECT_DIM), jnp.float32),
        mesh=mesh,
        scratch_types=[
            pltpu.VMEM((BATCH + _LANES,), jnp.int32),
            pltpu.VMEM((_ROWS_PER_WORKER, PROJECT_DIM), jnp.float32),
            pltpu.VMEM((BATCH // 4, 128), jnp.int32),
            pltpu.SemaphoreType.DMA,
            pltpu.SemaphoreType.DMA,
            pltpu.SemaphoreType.DMA,
        ],
    )(features, targets, protos_pad)


def _tc_loss_body(f_ref, p_ref, kappa_ref, tgt_ref, coef_ref, gamc_ref, out_ref):
    f = f_ref[...]
    p = p_ref[...]
    kap = jnp.maximum(kappa_ref[...], 0.0)
    tgt = tgt_ref[...]

    ones_row = jnp.ones((1, PROJECT_DIM), jnp.float32)
    dims = (((1,), (1,)), ((), ()))
    fn = jnp.maximum(jnp.sqrt(jnp.sum(f * f, axis=1, keepdims=True)), 1e-8)
    pn = jnp.maximum(
        jnp.sqrt(lax.dot_general(ones_row, p * p, dims,
                                 preferred_element_type=jnp.float32)),
        1e-8,
    )
    dots = lax.dot_general(f, p, dims, preferred_element_type=jnp.float32)
    cos = dots / (fn * pn)

    lk = jnp.log(kap)
    terms = coef_ref[...] * (lk - _LOG2) - gamc_ref[...]
    m = jnp.max(terms, axis=0, keepdims=True)
    lse = m + jnp.log(jnp.sum(jnp.exp(terms - m), axis=0, keepdims=True))
    wbe = jnp.exp(_D_CONST + _S * lk - lse)
    col = lax.broadcasted_iota(jnp.int32, (1, _PAD_CLASSES), 1)
    wbe = jnp.where(col < NUM_CLASSES, wbe, 0.0)

    num = wbe * jnp.exp(cos * kap)
    denom = jnp.sum(num, axis=1, keepdims=True)
    colb = lax.broadcasted_iota(jnp.int32, (BATCH, _PAD_CLASSES), 1)
    picked = jnp.sum(jnp.where(colb == tgt, num, 0.0), axis=1, keepdims=True)
    pred = picked / denom
    out_ref[0, 0] = -jnp.mean(jnp.log(pred + 1e-6))


def _tc_loss(features, protos_new, kappa_row, tgt_col):
    return pl.pallas_call(
        _tc_loss_body,
        out_shape=jax.ShapeDtypeStruct((1, 1), jnp.float32),
        out_specs=pl.BlockSpec(memory_space=pltpu.SMEM),
    )(features, protos_new, kappa_row, tgt_col,
      jnp.asarray(_COEF), jnp.asarray(_GAMMA_C))


def kernel(project_features, learnable_kappa_weight, target_classes_o, prototypes):
    protos_pad = jnp.pad(
        prototypes.astype(jnp.float32),
        ((0, _PAD_CLASSES - NUM_CLASSES), (0, 0)),
    )
    fb = project_features.astype(jnp.bfloat16)
    g = jnp.concatenate(
        [
            jnp.stack([fb[:, :16], fb[:, 16:32]], 2).reshape(BATCH, 32),
            jnp.stack([fb[:, 32:48], fb[:, 48:64]], 2).reshape(BATCH, 32),
        ],
        axis=1,
    )
    feat_packed = lax.bitcast_convert_type(
        g.reshape(BATCH, PROJECT_DIM // 2, 2), jnp.int32
    ).reshape(BATCH // 4, 128)
    protos_new = _sc_update(
        feat_packed,
        target_classes_o.astype(jnp.int32),
        protos_pad,
    )
    kappa_row = jnp.pad(
        learnable_kappa_weight.reshape(1, NUM_CLASSES).astype(jnp.float32),
        ((0, 0), (0, _PAD_CLASSES - NUM_CLASSES)),
        constant_values=1.0,
    )
    tgt_col = target_classes_o.reshape(BATCH, 1)
    loss = _tc_loss(project_features, protos_new, kappa_row, tgt_col)
    return loss[0, 0]

# --- scband reference (transcript-rebuilt; emitter-appended) ---
"""Pipeline reference for scband-siren-criterion-4827543240809 (READ-ONLY COPY).

The authoritative reference and input builder live on the scoring server;
editing this copy changes nothing except your own understanding.
"""

import jax, jax.numpy as jnp
import numpy as np
from jax.scipy.special import gammaln, logsumexp

NUM_CLASSES = 1000
PROJECT_DIM = 64
BATCH = 1024

def _normalize(x, eps=1e-12):
    n = jnp.linalg.norm(x, axis=-1, keepdims=True)
    return x / jnp.maximum(n, eps)

def _log_besseli(s, x, n_terms=50):
    # log I_s(x) via the ascending series: I_s(x) = sum_k (x/2)^{s+2k} / (k! Gamma(s+k+1))
    k = jnp.arange(n_terms, dtype=x.dtype)
    logx2 = jnp.log(x)[..., None] - jnp.log(2.0)
    terms = (s + 2.0 * k) * logx2 - gammaln(k + 1.0) - gammaln(s + k + 1.0)
    return logsumexp(terms, axis=-1)

def _vmf_log_partition(d, kappa):
    s = 0.5 * d - 1.0
    logI = _log_besseli(s, kappa)
    return d * (-0.5 * np.log(2.0 * np.pi)) + s * jnp.log(kappa) - logI

def _update_prototypes(prototypes, samples, targets):
    samples_n = _normalize(samples)
    def body(i, p):
        t = targets[i]
        new = _normalize(0.05 * samples_n[i] + 0.95 * p[t])
        return p.at[t].set(new)
    return jax.lax.fori_loop(0, samples.shape[0], body, prototypes)

def _cosine(a, b, eps=1e-8):
    na = jnp.maximum(jnp.linalg.norm(a, axis=-1), eps)
    nb = jnp.maximum(jnp.linalg.norm(b, axis=-1), eps)
    return (a @ b.T) / (na[:, None] * nb[None, :])

def setup_inputs(seed: int = 0):
    key = jax.random.key(seed)
    k1, k2, k3 = jax.random.split(key, 3)
    return {
        "project_features": jax.random.normal(k1, (BATCH, PROJECT_DIM), dtype=jnp.float32),
        "learnable_kappa_weight": jax.random.uniform(k2, (NUM_CLASSES, 1), dtype=jnp.float32, minval=0.1, maxval=6.0),
        "target_classes_o": jax.random.randint(k3, (BATCH,), 0, NUM_CLASSES, dtype=jnp.int32),
        "prototypes": jnp.zeros((NUM_CLASSES, PROJECT_DIM), dtype=jnp.float32),
    }

def reference(project_features, learnable_kappa_weight, target_classes_o, prototypes):
    d = project_features.shape[1]
    # sequential EMA scatter-overwrite into the class prototype memory (torch used .data, i.e. detached)
    protos = _update_prototypes(prototypes, jax.lax.stop_gradient(project_features), target_classes_o)
    protos = jax.lax.stop_gradient(protos)
    cosine_logits = _cosine(project_features, protos)
    kappa = jax.nn.relu(learnable_kappa_weight.reshape(-1, 1))
    weight_before_exp = jnp.exp(_vmf_log_partition(d, kappa)).reshape(1, -1)
    logits = cosine_logits * jax.nn.relu(learnable_kappa_weight.reshape(1, -1))
    num = weight_before_exp * jnp.exp(logits)
    pred = num / jnp.sum(num, axis=-1, keepdims=True)
    picked = pred[jnp.arange(pred.shape[0]), target_classes_o]
    loss = -jnp.mean(jnp.log(picked + 1e-6))
    return loss

if __name__ == "__main__":
    import jax
    _d = setup_inputs()
    print(jax.jit(kernel)(*tuple(_d.values())))

</pallas_src>

<mosaic_0001>
#map = affine_map<(d0, d1) -> (0, 0)>
#map1 = affine_map<(d0, d1) -> (0)>
module attributes {stable_mosaic.version = 14 : i64} {
  func.func @_sc_update_body(%arg0: i32, %arg1: i32, %arg2: memref<256x128xi32, #tpu.memory_space<hbm>>, %arg3: memref<1024xi32, #tpu.memory_space<hbm>>, %arg4: memref<1024x64xf32, #tpu.memory_space<hbm>>, %arg5: memref<1024x64xf32, #tpu.memory_space<hbm>>, %arg6: memref<1040xi32, #tpu.memory_space<vmem>>, %arg7: memref<32x64xf32, #tpu.memory_space<vmem>>, %arg8: memref<256x128xi32, #tpu.memory_space<vmem>>, %arg9: memref<!tpu.dma_semaphore, #tpu.memory_space<semaphore_mem>>, %arg10: memref<!tpu.dma_semaphore, #tpu.memory_space<semaphore_mem>>, %arg11: memref<!tpu.dma_semaphore, #tpu.memory_space<semaphore_mem>>) attributes {dimension_semantics = [#tpu.dimension_semantics<core_parallel>, #tpu.dimension_semantics<subcore_parallel>], iteration_bounds = array<i64: 2, 16>, scalar_prefetch = 0 : i64, scratch_operands = 6 : i64, tpu.core_type = #tpu.core_type<sc_vector_subcore>, window_params = [{transform_indices = #map}, {transform_indices = #map1}, {transform_indices = #map}, {transform_indices = #map}]} {
    %mul3A = arith.constant 2 : i32
    %mul3A_0 = arith.muli %arg1, %mul3A : i32
    %add3A = arith.addi %mul3A_0, %arg0 : i32
    %mul3A_1 = arith.constant 32 : i32
    %mul3A_2 = arith.muli %add3A, %mul3A_1 : i32
    %add3A_3 = arith.constant 32 : i32
    %add3A_4 = arith.addi %mul3A_2, %add3A_3 : i32
    %dma_start3A = arith.constant 0 : i32
    %dma_start3A_5 = tpu.memref_slice %arg6[%dma_start3A] : memref<1040xi32, #tpu.memory_space<vmem>> -> memref<1024xi32, #tpu.memory_space<vmem>>
    %dma_start3A_6 = arith.constant 0 : i32
    %dma_start3A_7 = tpu.memref_slice %arg6[%dma_start3A_6] : memref<1040xi32, #tpu.memory_space<vmem>> -> memref<1024xi32, #tpu.memory_space<vmem>>
    tpu.enqueue_dma source(%arg3 : memref<1024xi32, #tpu.memory_space<hbm>>) target(%dma_start3A_7 : memref<1024xi32, #tpu.memory_space<vmem>>) target_semaphore(%arg9 : memref<!tpu.dma_semaphore, #tpu.memory_space<semaphore_mem>>)
    %dma_start3A_8 = arith.constant 0 : i32
    %dma_start3A_9 = tpu.memref_slice %arg4[%mul3A_2, %dma_start3A_8] : memref<1024x64xf32, #tpu.memory_space<hbm>> -> memref<32x64xf32, #tpu.memory_space<hbm>>
    %dma_start3A_10 = arith.constant 0 : i32
    %dma_start3A_11 = tpu.memref_slice %arg4[%mul3A_2, %dma_start3A_10] : memref<1024x64xf32, #tpu.memory_space<hbm>> -> memref<32x64xf32, #tpu.memory_space<hbm>>
    tpu.enqueue_dma source(%dma_start3A_11 : memref<32x64xf32, #tpu.memory_space<hbm>>) target(%arg7 : memref<32x64xf32, #tpu.memory_space<vmem>>) target_semaphore(%arg10 : memref<!tpu.dma_semaphore, #tpu.memory_space<semaphore_mem>>)
    tpu.enqueue_dma source(%arg2 : memref<256x128xi32, #tpu.memory_space<hbm>>) target(%arg8 : memref<256x128xi32, #tpu.memory_space<vmem>>) target_semaphore(%arg11 : memref<!tpu.dma_semaphore, #tpu.memory_space<semaphore_mem>>)
    %dma_wait3A = arith.constant 0 : i32
    %dma_wait3A_12 = tpu.memref_slice %arg6[%dma_wait3A] : memref<1040xi32, #tpu.memory_space<vmem>> -> memref<1024xi32, #tpu.memory_space<vmem>>
    %dma_wait3A_13 = arith.constant 0 : i32
    %dma_wait3A_14 = tpu.memref_slice %arg6[%dma_wait3A_13] : memref<1040xi32, #tpu.memory_space<vmem>> -> memref<1024xi32, #tpu.memory_space<vmem>>
    tpu.wait_dma2 semaphore(%arg9 : memref<!tpu.dma_semaphore, #tpu.memory_space<semaphore_mem>>) src(%arg3 : memref<1024xi32, #tpu.memory_space<hbm>>) dst(%dma_wait3A_14 : memref<1024xi32, #tpu.memory_space<vmem>>)
    %dma_wait3A_15 = arith.constant 0 : i32
    %dma_wait3A_16 = tpu.memref_slice %arg4[%mul3A_2, %dma_wait3A_15] : memref<1024x64xf32, #tpu.memory_space<hbm>> -> memref<32x64xf32, #tpu.memory_space<hbm>>
    %dma_wait3A_17 = arith.constant 0 : i32
    %dma_wait3A_18 = tpu.memref_slice %arg4[%mul3A_2, %dma_wait3A_17] : memref<1024x64xf32, #tpu.memory_space<hbm>> -> memref<32x64xf32, #tpu.memory_space<hbm>>
    tpu.wait_dma2 semaphore(%arg10 : memref<!tpu.dma_semaphore, #tpu.memory_space<semaphore_mem>>) src(%dma_wait3A_18 : memref<32x64xf32, #tpu.memory_space<hbm>>) dst(%arg7 : memref<32x64xf32, #tpu.memory_space<vmem>>)
    tpu.wait_dma2 semaphore(%arg11 : memref<!tpu.dma_semaphore, #tpu.memory_space<semaphore_mem>>) src(%arg2 : memref<256x128xi32, #tpu.memory_space<hbm>>) dst(%arg8 : memref<256x128xi32, #tpu.memory_space<vmem>>)
    %scan3A = arith.constant 0 : i32
    %scan3A_19 = arith.constant 0 : i32
    %scan3A_20 = arith.constant 64 : i32
    %scan3A_21 = arith.addi %scan3A_19, %scan3A_20 : i32
    %scan3A_22 = arith.constant 1 : i32
    scf.for %scan3A_24 = %scan3A_19 to %scan3A_21 step %scan3A_22  : i32 {
      %mul3A_25 = arith.constant 16 : i32
      %mul3A_26 = arith.muli %scan3A_24, %mul3A_25 : i32
      %get3A = arith.index_cast %mul3A_26 : i32 to index
      %get3A_27 = tpu.vector_load %arg6[%get3A] {strides = array<i32>} : memref<1040xi32, #tpu.memory_space<vmem>>, vector<16xi32>,
      %get3A_28 = vector.shape_cast %get3A_27 : vector<16xi32> to vector<16xi32>
      %ge3A = vector.broadcast %mul3A_2 : i32 to vector<16xi32>
      %ge3A_29 = arith.cmpi sge, %get3A_28, %ge3A : vector<16xi32>
      %lt3A = vector.broadcast %add3A_4 : i32 to vector<16xi32>
      %lt3A_30 = arith.cmpi slt, %get3A_28, %lt3A : vector<16xi32>
      %and3A = arith.andi %ge3A_29, %lt3A_30 : vector<16xi1>
      %jit3A = arith.constant 1.000000e+00 : f32
      %jit3A_31 = arith.constant 0.000000e+00 : f32
      %broadcast_in_dim3A = vector.broadcast %jit3A : f32 to vector<16xf32>
      %broadcast_in_dim3A_32 = vector.broadcast %jit3A_31 : f32 to vector<16xf32>
      %select_n3A = arith.select %and3A, %broadcast_in_dim3A, %broadcast_in_dim3A_32 : vector<16xi1>, vector<16xf32>
      %iota3A = tpu.iota {dimensions = array<i32: 0>} : vector<16xi32>
      %add3A_33 = arith.constant 8 : i32
      %add3A_34 = vector.broadcast %add3A_33 : i32 to vector<16xi32>
      %add3A_35 = arith.addi %iota3A, %add3A_34 : vector<16xi32>
      %jit3A_36 = arith.constant 16 : i32
      %eq3A = arith.constant 0 : i32
      %eq3A_37 = arith.cmpi eq, %jit3A_36, %eq3A : i32
      %jit3A_38 = arith.constant 1 : i32
      %select_n3A_39 = arith.select %eq3A_37, %jit3A_38, %jit3A_36 : i32
      %rem3A = vector.broadcast %select_n3A_39 : i32 to vector<16xi32>
      %rem3A_40 = arith.remsi %add3A_35, %rem3A : vector<16xi32>
      %ne3A = arith.constant 0 : i32
      %ne3A_41 = vector.broadcast %ne3A : i32 to vector<16xi32>
      %ne3A_42 = arith.cmpi ne, %rem3A_40, %ne3A_41 : vector<16xi32>
      %lt3A_43 = arith.constant 0 : i32
      %lt3A_44 = vector.broadcast %lt3A_43 : i32 to vector<16xi32>
      %lt3A_45 = arith.cmpi slt, %rem3A_40, %lt3A_44 : vector<16xi32>
      %lt3A_46 = arith.constant 0 : i32
      %lt3A_47 = arith.cmpi slt, %select_n3A_39, %lt3A_46 : i32
      %ne3A_48 = vector.broadcast %lt3A_47 : i1 to vector<16xi1>
      %ne3A_49 = vector.broadcast %ne3A_48 : vector<16xi1> to vector<16xi1>
      %ne3A_50 = arith.xori %lt3A_45, %ne3A_49 : vector<16xi1>
      %and3A_51 = arith.andi %ne3A_50, %ne3A_42 : vector<16xi1>
      %add3A_52 = vector.broadcast %select_n3A_39 : i32 to vector<16xi32>
      %add3A_53 = arith.addi %rem3A_40, %add3A_52 : vector<16xi32>
      %select_n3A_54 = arith.select %and3A_51, %add3A_53, %rem3A_40 : vector<16xi1>, vector<16xi32>
      %lt3A_55 = arith.constant 0 : i32
      %lt3A_56 = vector.broadcast %lt3A_55 : i32 to vector<16xi32>
      %lt3A_57 = arith.cmpi slt, %select_n3A_54, %lt3A_56 : vector<16xi32>
      %add3A_58 = arith.constant 16 : i32
      %add3A_59 = vector.broadcast %add3A_58 : i32 to vector<16xi32>
      %add3A_60 = arith.addi %select_n3A_54, %add3A_59 : vector<16xi32>
      %select_n3A_61 = arith.select %lt3A_57, %add3A_60, %select_n3A_54 : vector<16xi1>, vector<16xi32>
      %broadcast_in_dim3A_62 = vector.shape_cast %select_n3A_61 : vector<16xi32> to vector<16x1xi32>
      %gather3A = vector.shape_cast %broadcast_in_dim3A_62 : vector<16x1xi32> to vector<16xi32>
      %gather3A_63 = tpu.dynamic_gather %select_n3A[%gather3A] in [0] : vector<16xf32>, vector<16xi32> -> vector<16xf32>
      %add3A_64 = arith.addf %select_n3A, %gather3A_63 : vector<16xf32>
      %add3A_65 = arith.constant 4 : i32
      %add3A_66 = vector.broadcast %add3A_65 : i32 to vector<16xi32>
      %add3A_67 = arith.addi %iota3A, %add3A_66 : vector<16xi32>
      %jit3A_68 = arith.constant 16 : i32
      %eq3A_69 = arith.constant 0 : i32
      %eq3A_70 = arith.cmpi eq, %jit3A_68, %eq3A_69 : i32
      %jit3A_71 = arith.constant 1 : i32
      %select_n3A_72 = arith.select %eq3A_70, %jit3A_71, %jit3A_68 : i32
      %rem3A_73 = vector.broadcast %select_n3A_72 : i32 to vector<16xi32>
      %rem3A_74 = arith.remsi %add3A_67, %rem3A_73 : vector<16xi32>
      %ne3A_75 = arith.constant 0 : i32
      %ne3A_76 = vector.broadcast %ne3A_75 : i32 to vector<16xi32>
      %ne3A_77 = arith.cmpi ne, %rem3A_74, %ne3A_76 : vector<16xi32>
      %lt3A_78 = arith.constant 0 : i32
      %lt3A_79 = vector.broadcast %lt3A_78 : i32 to vector<16xi32>
      %lt3A_80 = arith.cmpi slt, %rem3A_74, %lt3A_79 : vector<16xi32>
      %lt3A_81 = arith.constant 0 : i32
      %lt3A_82 = arith.cmpi slt, %select_n3A_72, %lt3A_81 : i32
      %ne3A_83 = vector.broadcast %lt3A_82 : i1 to vector<16xi1>
      %ne3A_84 = vector.broadcast %ne3A_83 : vector<16xi1> to vector<16xi1>
      %ne3A_85 = arith.xori %lt3A_80, %ne3A_84 : vector<16xi1>
      %and3A_86 = arith.andi %ne3A_85, %ne3A_77 : vector<16xi1>
      %add3A_87 = vector.broadcast %select_n3A_72 : i32 to vector<16xi32>
      %add3A_88 = arith.addi %rem3A_74, %add3A_87 : vector<16xi32>
      %select_n3A_89 = arith.select %and3A_86, %add3A_88, %rem3A_74 : vector<16xi1>, vector<16xi32>
      %lt3A_90 = arith.constant 0 : i32
      %lt3A_91 = vector.broadcast %lt3A_90 : i32 to vector<16xi32>
      %lt3A_92 = arith.cmpi slt, %select_n3A_89, %lt3A_91 : vector<16xi32>
      %add3A_93 = arith.constant 16 : i32
      %add3A_94 = vector.broadcast %add3A_93 : i32 to vector<16xi32>
      %add3A_95 = arith.addi %select_n3A_89, %add3A_94 : vector<16xi32>
      %select_n3A_96 = arith.select %lt3A_92, %add3A_95, %select_n3A_89 : vector<16xi1>, vector<16xi32>
      %broadcast_in_dim3A_97 = vector.shape_cast %select_n3A_96 : vector<16xi32> to vector<16x1xi32>
      %gather3A_98 = vector.shape_cast %broadcast_in_dim3A_97 : vector<16x1xi32> to vector<16xi32>
      %gather3A_99 = tpu.dynamic_gather %add3A_64[%gather3A_98] in [0] : vector<16xf32>, vector<16xi32> -> vector<16xf32>
      %add3A_100 = arith.addf %add3A_64, %gather3A_99 : vector<16xf32>
      %add3A_101 = arith.constant 2 : i32
      %add3A_102 = vector.broadcast %add3A_101 : i32 to vector<16xi32>
      %add3A_103 = arith.addi %iota3A, %add3A_102 : vector<16xi32>
      %jit3A_104 = arith.constant 16 : i32
      %eq3A_105 = arith.constant 0 : i32
      %eq3A_106 = arith.cmpi eq, %jit3A_104, %eq3A_105 : i32
      %jit3A_107 = arith.constant 1 : i32
      %select_n3A_108 = arith.select %eq3A_106, %jit3A_107, %jit3A_104 : i32
      %rem3A_109 = vector.broadcast %select_n3A_108 : i32 to vector<16xi32>
      %rem3A_110 = arith.remsi %add3A_103, %rem3A_109 : vector<16xi32>
      %ne3A_111 = arith.constant 0 : i32
      %ne3A_112 = vector.broadcast %ne3A_111 : i32 to vector<16xi32>
      %ne3A_113 = arith.cmpi ne, %rem3A_110, %ne3A_112 : vector<16xi32>
      %lt3A_114 = arith.constant 0 : i32
      %lt3A_115 = vector.broadcast %lt3A_114 : i32 to vector<16xi32>
      %lt3A_116 = arith.cmpi slt, %rem3A_110, %lt3A_115 : vector<16xi32>
      %lt3A_117 = arith.constant 0 : i32
      %lt3A_118 = arith.cmpi slt, %select_n3A_108, %lt3A_117 : i32
      %ne3A_119 = vector.broadcast %lt3A_118 : i1 to vector<16xi1>
      %ne3A_120 = vector.broadcast %ne3A_119 : vector<16xi1> to vector<16xi1>
      %ne3A_121 = arith.xori %lt3A_116, %ne3A_120 : vector<16xi1>
      %and3A_122 = arith.andi %ne3A_121, %ne3A_113 : vector<16xi1>
      %add3A_123 = vector.broadcast %select_n3A_108 : i32 to vector<16xi32>
      %add3A_124 = arith.addi %rem3A_110, %add3A_123 : vector<16xi32>
      %select_n3A_125 = arith.select %and3A_122, %add3A_124, %rem3A_110 : vector<16xi1>, vector<16xi32>
      %lt3A_126 = arith.constant 0 : i32
      %lt3A_127 = vector.broadcast %lt3A_126 : i32 to vector<16xi32>
      %lt3A_128 = arith.cmpi slt, %select_n3A_125, %lt3A_127 : vector<16xi32>
      %add3A_129 = arith.constant 16 : i32
      %add3A_130 = vector.broadcast %add3A_129 : i32 to vector<16xi32>
      %add3A_131 = arith.addi %select_n3A_125, %add3A_130 : vector<16xi32>
      %select_n3A_132 = arith.select %lt3A_128, %add3A_131, %select_n3A_125 : vector<16xi1>, vector<16xi32>
      %broadcast_in_dim3A_133 = vector.shape_cast %select_n3A_132 : vector<16xi32> to vector<16x1xi32>
      %gather3A_134 = vector.shape_cast %broadcast_in_dim3A_133 : vector<16x1xi32> to vector<16xi32>
      %gather3A_135 = tpu.dynamic_gather %add3A_100[%gather3A_134] in [0] : vector<16xf32>, vector<16xi32> -> vector<16xf32>
      %add3A_136 = arith.addf %add3A_100, %gather3A_135 : vector<16xf32>
      %add3A_137 = arith.constant 1 : i32
      %add3A_138 = vector.broadcast %add3A_137 : i32 to vector<16xi32>
      %add3A_139 = arith.addi %iota3A, %add3A_138 : vector<16xi32>
      %jit3A_140 = arith.constant 16 : i32
      %eq3A_141 = arith.constant 0 : i32
      %eq3A_142 = arith.cmpi eq, %jit3A_140, %eq3A_141 : i32
      %jit3A_143 = arith.constant 1 : i32
      %select_n3A_144 = arith.select %eq3A_142, %jit3A_143, %jit3A_140 : i32
      %rem3A_145 = vector.broadcast %select_n3A_144 : i32 to vector<16xi32>
      %rem3A_146 = arith.remsi %add3A_139, %rem3A_145 : vector<16xi32>
      %ne3A_147 = arith.constant 0 : i32
      %ne3A_148 = vector.broadcast %ne3A_147 : i32 to vector<16xi32>
      %ne3A_149 = arith.cmpi ne, %rem3A_146, %ne3A_148 : vector<16xi32>
      %lt3A_150 = arith.constant 0 : i32
      %lt3A_151 = vector.broadcast %lt3A_150 : i32 to vector<16xi32>
      %lt3A_152 = arith.cmpi slt, %rem3A_146, %lt3A_151 : vector<16xi32>
      %lt3A_153 = arith.constant 0 : i32
      %lt3A_154 = arith.cmpi slt, %select_n3A_144, %lt3A_153 : i32
      %ne3A_155 = vector.broadcast %lt3A_154 : i1 to vector<16xi1>
      %ne3A_156 = vector.broadcast %ne3A_155 : vector<16xi1> to vector<16xi1>
      %ne3A_157 = arith.xori %lt3A_152, %ne3A_156 : vector<16xi1>
      %and3A_158 = arith.andi %ne3A_157, %ne3A_149 : vector<16xi1>
      %add3A_159 = vector.broadcast %select_n3A_144 : i32 to vector<16xi32>
      %add3A_160 = arith.addi %rem3A_146, %add3A_159 : vector<16xi32>
      %select_n3A_161 = arith.select %and3A_158, %add3A_160, %rem3A_146 : vector<16xi1>, vector<16xi32>
      %lt3A_162 = arith.constant 0 : i32
      %lt3A_163 = vector.broadcast %lt3A_162 : i32 to vector<16xi32>
      %lt3A_164 = arith.cmpi slt, %select_n3A_161, %lt3A_163 : vector<16xi32>
      %add3A_165 = arith.constant 16 : i32
      %add3A_166 = vector.broadcast %add3A_165 : i32 to vector<16xi32>
      %add3A_167 = arith.addi %select_n3A_161, %add3A_166 : vector<16xi32>
      %select_n3A_168 = arith.select %lt3A_164, %add3A_167, %select_n3A_161 : vector<16xi1>, vector<16xi32>
      %broadcast_in_dim3A_169 = vector.shape_cast %select_n3A_168 : vector<16xi32> to vector<16x1xi32>
      %gather3A_170 = vector.shape_cast %broadcast_in_dim3A_169 : vector<16x1xi32> to vector<16xi32>
      %gather3A_171 = tpu.dynamic_gather %add3A_136[%gather3A_170] in [0] : vector<16xf32>, vector<16xi32> -> vector<16xf32>
      %add3A_172 = arith.addf %add3A_136, %gather3A_171 : vector<16xf32>
      %slice3A = vector.extract_strided_slice %add3A_172 {offsets = [0], sizes = [1], strides = [1]} : vector<16xf32> to vector<1xf32>
      %squeeze3A = vector.extract %slice3A[0] : f32 from vector<1xf32>
      %gt3A = arith.constant 5.000000e-01 : f32
      %gt3A_173 = arith.cmpf ogt, %squeeze3A, %gt3A : f32
      %convert_element_type3A = arith.extui %gt3A_173 : i1 to i32
      %cond3A = arith.constant 0 : i32
      %cond3A_174 = arith.cmpi ne, %convert_element_type3A, %cond3A : i32
      scf.if %cond3A_174 {
        %scan3A_175 = arith.constant 0 : i32
        %scan3A_176 = arith.constant 0 : i32
        %scan3A_177 = arith.constant 16 : i32
        %scan3A_178 = arith.addi %scan3A_176, %scan3A_177 : i32
        %scan3A_179 = arith.constant 1 : i32
        scf.for %scan3A_181 = %scan3A_176 to %scan3A_178 step %scan3A_179  : i32 {
          %add3A_182 = arith.addi %mul3A_26, %scan3A_181 : i32
          %get3A_183 = arith.index_cast %add3A_182 : i32 to index
          %get3A_184 = tpu.vector_load %arg6[%get3A_183] {strides = array<i32>} : memref<1040xi32, #tpu.memory_space<vmem>>, vector<16xi32>,
          %get3A_185 = vector.shape_cast %get3A_184 : vector<16xi32> to vector<16xi32>
          %slice3A_186 = vector.extract_strided_slice %get3A_185 {offsets = [0], sizes = [1], strides = [1]} : vector<16xi32> to vector<1xi32>
          %squeeze3A_187 = vector.extract %slice3A_186[0] : i32 from vector<1xi32>
          %ge3A_188 = arith.cmpi sge, %squeeze3A_187, %mul3A_2 : i32
          %lt3A_189 = arith.cmpi slt, %squeeze3A_187, %add3A_4 : i32
          %and3A_190 = arith.andi %ge3A_188, %lt3A_189 : i1
          %convert_element_type3A_191 = arith.extui %and3A_190 : i1 to i32
          %cond3A_192 = arith.constant 0 : i32
          %cond3A_193 = arith.cmpi ne, %convert_element_type3A_191, %cond3A_192 : i32
          scf.if %cond3A_193 {
            %sub3A = arith.subi %squeeze3A_187, %mul3A_2 : i32
            %add3A_194 = arith.addi %mul3A_26, %scan3A_181 : i32
            %shift_right_arithmetic3A = arith.constant 2 : i32
            %shift_right_arithmetic3A_195 = arith.shrsi %add3A_194, %shift_right_arithmetic3A : i32
            %and3A_196 = arith.constant 3 : i32
            %and3A_197 = arith.andi %add3A_194, %and3A_196 : i32
            %mul3A_198 = arith.constant 32 : i32
            %mul3A_199 = arith.muli %and3A_197, %mul3A_198 : i32
            %get3A_200 = arith.index_cast %shift_right_arithmetic3A_195 : i32 to index
            %get3A_201 = arith.index_cast %mul3A_199 : i32 to index
            %get3A_202 = tpu.vector_load %arg8[%get3A_200, %get3A_201] {strides = array<i32>} : memref<256x128xi32, #tpu.memory_space<vmem>>, vector<1x16xi32>,
            %get3A_203 = vector.shape_cast %get3A_202 : vector<1x16xi32> to vector<16xi32>
            %add3A_204 = arith.constant 16 : i32
            %add3A_205 = arith.addi %mul3A_199, %add3A_204 : i32
            %get3A_206 = arith.index_cast %shift_right_arithmetic3A_195 : i32 to index
            %get3A_207 = arith.index_cast %add3A_205 : i32 to index
            %get3A_208 = tpu.vector_load %arg8[%get3A_206, %get3A_207] {strides = array<i32>} : memref<256x128xi32, #tpu.memory_space<vmem>>, vector<1x16xi32>,
            %get3A_209 = vector.shape_cast %get3A_208 : vector<1x16xi32> to vector<16xi32>
            %shift_left3A = arith.constant 16 : i32
            %shift_left3A_210 = vector.broadcast %shift_left3A : i32 to vector<16xi32>
            %shift_left3A_211 = arith.shli %get3A_203, %shift_left3A_210 : vector<16xi32>
            %bitcast_convert_type3A = tpu.bitcast %shift_left3A_211 : vector<16xi32> -> vector<16xf32>
            %and3A_212 = arith.constant -65536 : i32
            %and3A_213 = vector.broadcast %and3A_212 : i32 to vector<16xi32>
            %and3A_214 = arith.andi %get3A_203, %and3A_213 : vector<16xi32>
            %bitcast_convert_type3A_215 = tpu.bitcast %and3A_214 : vector<16xi32> -> vector<16xf32>
            %shift_left3A_216 = arith.constant 16 : i32
            %shift_left3A_217 = vector.broadcast %shift_left3A_216 : i32 to vector<16xi32>
            %shift_left3A_218 = arith.shli %get3A_209, %shift_left3A_217 : vector<16xi32>
            %bitcast_convert_type3A_219 = tpu.bitcast %shift_left3A_218 : vector<16xi32> -> vector<16xf32>
            %and3A_220 = arith.constant -65536 : i32
            %and3A_221 = vector.broadcast %and3A_220 : i32 to vector<16xi32>
            %and3A_222 = arith.andi %get3A_209, %and3A_221 : vector<16xi32>
            %bitcast_convert_type3A_223 = tpu.bitcast %and3A_222 : vector<16xi32> -> vector<16xf32>
            %mul3A_224 = arith.mulf %bitcast_convert_type3A, %bitcast_convert_type3A : vector<16xf32>
            %add3A_225 = arith.constant 0.000000e+00 : f32
            %add3A_226 = vector.broadcast %add3A_225 : f32 to vector<16xf32>
            %add3A_227 = arith.addf %add3A_226, %mul3A_224 : vector<16xf32>
            %mul3A_228 = arith.mulf %bitcast_convert_type3A_215, %bitcast_convert_type3A_215 : vector<16xf32>
            %add3A_229 = arith.addf %add3A_227, %mul3A_228 : vector<16xf32>
            %mul3A_230 = arith.mulf %bitcast_convert_type3A_219, %bitcast_convert_type3A_219 : vector<16xf32>
            %add3A_231 = arith.addf %add3A_229, %mul3A_230 : vector<16xf32>
            %mul3A_232 = arith.mulf %bitcast_convert_type3A_223, %bitcast_convert_type3A_223 : vector<16xf32>
            %add3A_233 = arith.addf %add3A_231, %mul3A_232 : vector<16xf32>
            %iota3A_234 = tpu.iota {dimensions = array<i32: 0>} : vector<16xi32>
            %add3A_235 = arith.constant 8 : i32
            %add3A_236 = vector.broadcast %add3A_235 : i32 to vector<16xi32>
            %add3A_237 = arith.addi %iota3A_234, %add3A_236 : vector<16xi32>
            %jit3A_238 = arith.constant 16 : i32
            %eq3A_239 = arith.constant 0 : i32
            %eq3A_240 = arith.cmpi eq, %jit3A_238, %eq3A_239 : i32
            %jit3A_241 = arith.constant 1 : i32
            %select_n3A_242 = arith.select %eq3A_240, %jit3A_241, %jit3A_238 : i32
            %rem3A_243 = vector.broadcast %select_n3A_242 : i32 to vector<16xi32>
            %rem3A_244 = arith.remsi %add3A_237, %rem3A_243 : vector<16xi32>
            %ne3A_245 = arith.constant 0 : i32
            %ne3A_246 = vector.broadcast %ne3A_245 : i32 to vector<16xi32>
            %ne3A_247 = arith.cmpi ne, %rem3A_244, %ne3A_246 : vector<16xi32>
            %lt3A_248 = arith.constant 0 : i32
            %lt3A_249 = vector.broadcast %lt3A_248 : i32 to vector<16xi32>
            %lt3A_250 = arith.cmpi slt, %rem3A_244, %lt3A_249 : vector<16xi32>
            %lt3A_251 = arith.constant 0 : i32
            %lt3A_252 = arith.cmpi slt, %select_n3A_242, %lt3A_251 : i32
            %ne3A_253 = vector.broadcast %lt3A_252 : i1 to vector<16xi1>
            %ne3A_254 = vector.broadcast %ne3A_253 : vector<16xi1> to vector<16xi1>
            %ne3A_255 = arith.xori %lt3A_250, %ne3A_254 : vector<16xi1>
            %and3A_256 = arith.andi %ne3A_255, %ne3A_247 : vector<16xi1>
            %add3A_257 = vector.broadcast %select_n3A_242 : i32 to vector<16xi32>
            %add3A_258 = arith.addi %rem3A_244, %add3A_257 : vector<16xi32>
            %select_n3A_259 = arith.select %and3A_256, %add3A_258, %rem3A_244 : vector<16xi1>, vector<16xi32>
            %lt3A_260 = arith.constant 0 : i32
            %lt3A_261 = vector.broadcast %lt3A_260 : i32 to vector<16xi32>
            %lt3A_262 = arith.cmpi slt, %select_n3A_259, %lt3A_261 : vector<16xi32>
            %add3A_263 = arith.constant 16 : i32
            %add3A_264 = vector.broadcast %add3A_263 : i32 to vector<16xi32>
            %add3A_265 = arith.addi %select_n3A_259, %add3A_264 : vector<16xi32>
            %select_n3A_266 = arith.select %lt3A_262, %add3A_265, %select_n3A_259 : vector<16xi1>, vector<16xi32>
            %broadcast_in_dim3A_267 = vector.shape_cast %select_n3A_266 : vector<16xi32> to vector<16x1xi32>
            %gather3A_268 = vector.shape_cast %broadcast_in_dim3A_267 : vector<16x1xi32> to vector<16xi32>
            %gather3A_269 = tpu.dynamic_gather %add3A_233[%gather3A_268] in [0] : vector<16xf32>, vector<16xi32> -> vector<16xf32>
            %add3A_270 = arith.addf %add3A_233, %gather3A_269 : vector<16xf32>
            %add3A_271 = arith.constant 4 : i32
            %add3A_272 = vector.broadcast %add3A_271 : i32 to vector<16xi32>
            %add3A_273 = arith.addi %iota3A_234, %add3A_272 : vector<16xi32>
            %jit3A_274 = arith.constant 16 : i32
            %eq3A_275 = arith.constant 0 : i32
            %eq3A_276 = arith.cmpi eq, %jit3A_274, %eq3A_275 : i32
            %jit3A_277 = arith.constant 1 : i32
            %select_n3A_278 = arith.select %eq3A_276, %jit3A_277, %jit3A_274 : i32
            %rem3A_279 = vector.broadcast %select_n3A_278 : i32 to vector<16xi32>
            %rem3A_280 = arith.remsi %add3A_273, %rem3A_279 : vector<16xi32>
            %ne3A_281 = arith.constant 0 : i32
            %ne3A_282 = vector.broadcast %ne3A_281 : i32 to vector<16xi32>
            %ne3A_283 = arith.cmpi ne, %rem3A_280, %ne3A_282 : vector<16xi32>
            %lt3A_284 = arith.constant 0 : i32
            %lt3A_285 = vector.broadcast %lt3A_284 : i32 to vector<16xi32>
            %lt3A_286 = arith.cmpi slt, %rem3A_280, %lt3A_285 : vector<16xi32>
            %lt3A_287 = arith.constant 0 : i32
            %lt3A_288 = arith.cmpi slt, %select_n3A_278, %lt3A_287 : i32
            %ne3A_289 = vector.broadcast %lt3A_288 : i1 to vector<16xi1>
            %ne3A_290 = vector.broadcast %ne3A_289 : vector<16xi1> to vector<16xi1>
            %ne3A_291 = arith.xori %lt3A_286, %ne3A_290 : vector<16xi1>
            %and3A_292 = arith.andi %ne3A_291, %ne3A_283 : vector<16xi1>
            %add3A_293 = vector.broadcast %select_n3A_278 : i32 to vector<16xi32>
            %add3A_294 = arith.addi %rem3A_280, %add3A_293 : vector<16xi32>
            %select_n3A_295 = arith.select %and3A_292, %add3A_294, %rem3A_280 : vector<16xi1>, vector<16xi32>
            %lt3A_296 = arith.constant 0 : i32
            %lt3A_297 = vector.broadcast %lt3A_296 : i32 to vector<16xi32>
            %lt3A_298 = arith.cmpi slt, %select_n3A_295, %lt3A_297 : vector<16xi32>
            %add3A_299 = arith.constant 16 : i32
            %add3A_300 = vector.broadcast %add3A_299 : i32 to vector<16xi32>
            %add3A_301 = arith.addi %select_n3A_295, %add3A_300 : vector<16xi32>
            %select_n3A_302 = arith.select %lt3A_298, %add3A_301, %select_n3A_295 : vector<16xi1>, vector<16xi32>
            %broadcast_in_dim3A_303 = vector.shape_cast %select_n3A_302 : vector<16xi32> to vector<16x1xi32>
            %gather3A_304 = vector.shape_cast %broadcast_in_dim3A_303 : vector<16x1xi32> to vector<16xi32>
            %gather3A_305 = tpu.dynamic_gather %add3A_270[%gather3A_304] in [0] : vector<16xf32>, vector<16xi32> -> vector<16xf32>
            %add3A_306 = arith.addf %add3A_270, %gather3A_305 : vector<16xf32>
            %add3A_307 = arith.constant 2 : i32
            %add3A_308 = vector.broadcast %add3A_307 : i32 to vector<16xi32>
            %add3A_309 = arith.addi %iota3A_234, %add3A_308 : vector<16xi32>
            %jit3A_310 = arith.constant 16 : i32
            %eq3A_311 = arith.constant 0 : i32
            %eq3A_312 = arith.cmpi eq, %jit3A_310, %eq3A_311 : i32
            %jit3A_313 = arith.constant 1 : i32
            %select_n3A_314 = arith.select %eq3A_312, %jit3A_313, %jit3A_310 : i32
            %rem3A_315 = vector.broadcast %select_n3A_314 : i32 to vector<16xi32>
            %rem3A_316 = arith.remsi %add3A_309, %rem3A_315 : vector<16xi32>
            %ne3A_317 = arith.constant 0 : i32
            %ne3A_318 = vector.broadcast %ne3A_317 : i32 to vector<16xi32>
            %ne3A_319 = arith.cmpi ne, %rem3A_316, %ne3A_318 : vector<16xi32>
            %lt3A_320 = arith.constant 0 : i32
            %lt3A_321 = vector.broadcast %lt3A_320 : i32 to vector<16xi32>
            %lt3A_322 = arith.cmpi slt, %rem3A_316, %lt3A_321 : vector<16xi32>
            %lt3A_323 = arith.constant 0 : i32
            %lt3A_324 = arith.cmpi slt, %select_n3A_314, %lt3A_323 : i32
            %ne3A_325 = vector.broadcast %lt3A_324 : i1 to vector<16xi1>
            %ne3A_326 = vector.broadcast %ne3A_325 : vector<16xi1> to vector<16xi1>
            %ne3A_327 = arith.xori %lt3A_322, %ne3A_326 : vector<16xi1>
            %and3A_328 = arith.andi %ne3A_327, %ne3A_319 : vector<16xi1>
            %add3A_329 = vector.broadcast %select_n3A_314 : i32 to vector<16xi32>
            %add3A_330 = arith.addi %rem3A_316, %add3A_329 : vector<16xi32>
            %select_n3A_331 = arith.select %and3A_328, %add3A_330, %rem3A_316 : vector<16xi1>, vector<16xi32>
            %lt3A_332 = arith.constant 0 : i32
            %lt3A_333 = vector.broadcast %lt3A_332 : i32 to vector<16xi32>
            %lt3A_334 = arith.cmpi slt, %select_n3A_331, %lt3A_333 : vector<16xi32>
            %add3A_335 = arith.constant 16 : i32
            %add3A_336 = vector.broadcast %add3A_335 : i32 to vector<16xi32>
            %add3A_337 = arith.addi %select_n3A_331, %add3A_336 : vector<16xi32>
            %select_n3A_338 = arith.select %lt3A_334, %add3A_337, %select_n3A_331 : vector<16xi1>, vector<16xi32>
            %broadcast_in_dim3A_339 = vector.shape_cast %select_n3A_338 : vector<16xi32> to vector<16x1xi32>
            %gather3A_340 = vector.shape_cast %broadcast_in_dim3A_339 : vector<16x1xi32> to vector<16xi32>
            %gather3A_341 = tpu.dynamic_gather %add3A_306[%gather3A_340] in [0] : vector<16xf32>, vector<16xi32> -> vector<16xf32>
            %add3A_342 = arith.addf %add3A_306, %gather3A_341 : vector<16xf32>
            %add3A_343 = arith.constant 1 : i32
            %add3A_344 = vector.broadcast %add3A_343 : i32 to vector<16xi32>
            %add3A_345 = arith.addi %iota3A_234, %add3A_344 : vector<16xi32>
            %jit3A_346 = arith.constant 16 : i32
            %eq3A_347 = arith.constant 0 : i32
            %eq3A_348 = arith.cmpi eq, %jit3A_346, %eq3A_347 : i32
            %jit3A_349 = arith.constant 1 : i32
            %select_n3A_350 = arith.select %eq3A_348, %jit3A_349, %jit3A_346 : i32
            %rem3A_351 = vector.broadcast %select_n3A_350 : i32 to vector<16xi32>
            %rem3A_352 = arith.remsi %add3A_345, %rem3A_351 : vector<16xi32>
            %ne3A_353 = arith.constant 0 : i32
            %ne3A_354 = vector.broadcast %ne3A_353 : i32 to vector<16xi32>
            %ne3A_355 = arith.cmpi ne, %rem3A_352, %ne3A_354 : vector<16xi32>
            %lt3A_356 = arith.constant 0 : i32
            %lt3A_357 = vector.broadcast %lt3A_356 : i32 to vector<16xi32>
            %lt3A_358 = arith.cmpi slt, %rem3A_352, %lt3A_357 : vector<16xi32>
            %lt3A_359 = arith.constant 0 : i32
            %lt3A_360 = arith.cmpi slt, %select_n3A_350, %lt3A_359 : i32
            %ne3A_361 = vector.broadcast %lt3A_360 : i1 to vector<16xi1>
            %ne3A_362 = vector.broadcast %ne3A_361 : vector<16xi1> to vector<16xi1>
            %ne3A_363 = arith.xori %lt3A_358, %ne3A_362 : vector<16xi1>
            %and3A_364 = arith.andi %ne3A_363, %ne3A_355 : vector<16xi1>
            %add3A_365 = vector.broadcast %select_n3A_350 : i32 to vector<16xi32>
            %add3A_366 = arith.addi %rem3A_352, %add3A_365 : vector<16xi32>
            %select_n3A_367 = arith.select %and3A_364, %add3A_366, %rem3A_352 : vector<16xi1>, vector<16xi32>
            %lt3A_368 = arith.constant 0 : i32
            %lt3A_369 = vector.broadcast %lt3A_368 : i32 to vector<16xi32>
            %lt3A_370 = arith.cmpi slt, %select_n3A_367, %lt3A_369 : vector<16xi32>
            %add3A_371 = arith.constant 16 : i32
            %add3A_372 = vector.broadcast %add3A_371 : i32 to vector<16xi32>
            %add3A_373 = arith.addi %select_n3A_367, %add3A_372 : vector<16xi32>
            %select_n3A_374 = arith.select %lt3A_370, %add3A_373, %select_n3A_367 : vector<16xi1>, vector<16xi32>
            %broadcast_in_dim3A_375 = vector.shape_cast %select_n3A_374 : vector<16xi32> to vector<16x1xi32>
            %gather3A_376 = vector.shape_cast %broadcast_in_dim3A_375 : vector<16x1xi32> to vector<16xi32>
            %gather3A_377 = tpu.dynamic_gather %add3A_342[%gather3A_376] in [0] : vector<16xf32>, vector<16xi32> -> vector<16xf32>
            %add3A_378 = arith.addf %add3A_342, %gather3A_377 : vector<16xf32>
            %max3A = arith.constant 1.000000e-24 : f32
            %max3A_379 = vector.broadcast %max3A : f32 to vector<16xf32>
            %max3A_380 = arith.maximumf %add3A_378, %max3A_379 : vector<16xf32>
            %bitcast_convert_type3A_381 = tpu.bitcast %max3A_380 : vector<16xf32> -> vector<16xi32>
            %shift_right_arithmetic3A_382 = arith.constant 1 : i32
            %shift_right_arithmetic3A_383 = vector.broadcast %shift_right_arithmetic3A_382 : i32 to vector<16xi32>
            %shift_right_arithmetic3A_384 = arith.shrsi %bitcast_convert_type3A_381, %shift_right_arithmetic3A_383 : vector<16xi32>
            %sub3A_385 = arith.constant 1597463007 : i32
            %sub3A_386 = vector.broadcast %sub3A_385 : i32 to vector<16xi32>
            %sub3A_387 = arith.subi %sub3A_386, %shift_right_arithmetic3A_384 : vector<16xi32>
            %bitcast_convert_type3A_388 = tpu.bitcast %sub3A_387 : vector<16xi32> -> vector<16xf32>
            %mul3A_389 = arith.constant 5.000000e-01 : f32
            %mul3A_390 = vector.broadcast %mul3A_389 : f32 to vector<16xf32>
            %mul3A_391 = arith.mulf %mul3A_390, %max3A_380 : vector<16xf32>
            %mul3A_392 = arith.mulf %mul3A_391, %bitcast_convert_type3A_388 : vector<16xf32>
            %mul3A_393 = arith.mulf %mul3A_392, %bitcast_convert_type3A_388 : vector<16xf32>
            %sub3A_394 = arith.constant 1.500000e+00 : f32
            %sub3A_395 = vector.broadcast %sub3A_394 : f32 to vector<16xf32>
            %sub3A_396 = arith.subf %sub3A_395, %mul3A_393 : vector<16xf32>
            %mul3A_397 = arith.mulf %bitcast_convert_type3A_388, %sub3A_396 : vector<16xf32>
            %mul3A_398 = arith.constant 5.000000e-01 : f32
            %mul3A_399 = vector.broadcast %mul3A_398 : f32 to vector<16xf32>
            %mul3A_400 = arith.mulf %mul3A_399, %max3A_380 : vector<16xf32>
            %mul3A_401 = arith.mulf %mul3A_400, %mul3A_397 : vector<16xf32>
            %mul3A_402 = arith.mulf %mul3A_401, %mul3A_397 : vector<16xf32>
            %sub3A_403 = arith.constant 1.500000e+00 : f32
            %sub3A_404 = vector.broadcast %sub3A_403 : f32 to vector<16xf32>
            %sub3A_405 = arith.subf %sub3A_404, %mul3A_402 : vector<16xf32>
            %mul3A_406 = arith.mulf %mul3A_397, %sub3A_405 : vector<16xf32>
            %mul3A_407 = arith.constant 5.000000e-01 : f32
            %mul3A_408 = vector.broadcast %mul3A_407 : f32 to vector<16xf32>
            %mul3A_409 = arith.mulf %mul3A_408, %max3A_380 : vector<16xf32>
            %mul3A_410 = arith.mulf %mul3A_409, %mul3A_406 : vector<16xf32>
            %mul3A_411 = arith.mulf %mul3A_410, %mul3A_406 : vector<16xf32>
            %sub3A_412 = arith.constant 1.500000e+00 : f32
            %sub3A_413 = vector.broadcast %sub3A_412 : f32 to vector<16xf32>
            %sub3A_414 = arith.subf %sub3A_413, %mul3A_411 : vector<16xf32>
            %mul3A_415 = arith.mulf %mul3A_406, %sub3A_414 : vector<16xf32>
            %mul3A_416 = arith.mulf %bitcast_convert_type3A, %mul3A_415 : vector<16xf32>
            %mul3A_417 = arith.constant 5.000000e-02 : f32
            %mul3A_418 = vector.broadcast %mul3A_417 : f32 to vector<16xf32>
            %mul3A_419 = arith.mulf %mul3A_418, %mul3A_416 : vector<16xf32>
            %get3A_420 = arith.index_cast %sub3A : i32 to index
            %get3A_421 = arith.constant 0 : index
            %get3A_422 = tpu.vector_load %arg7[%get3A_420, %get3A_421] {strides = array<i32>} : memref<32x64xf32, #tpu.memory_space<vmem>>, vector<1x16xf32>,
            %get3A_423 = vector.shape_cast %get3A_422 : vector<1x16xf32> to vector<16xf32>
            %mul3A_424 = arith.constant 0.949999988 : f32
            %mul3A_425 = vector.broadcast %mul3A_424 : f32 to vector<16xf32>
            %mul3A_426 = arith.mulf %mul3A_425, %get3A_423 : vector<16xf32>
            %add3A_427 = arith.addf %mul3A_419, %mul3A_426 : vector<16xf32>
            %mul3A_428 = arith.mulf %bitcast_convert_type3A_215, %mul3A_415 : vector<16xf32>
            %mul3A_429 = arith.constant 5.000000e-02 : f32
            %mul3A_430 = vector.broadcast %mul3A_429 : f32 to vector<16xf32>
            %mul3A_431 = arith.mulf %mul3A_430, %mul3A_428 : vector<16xf32>
            %get3A_432 = arith.index_cast %sub3A : i32 to index
            %get3A_433 = arith.constant 16 : index
            %get3A_434 = tpu.vector_load %arg7[%get3A_432, %get3A_433] {strides = array<i32>} : memref<32x64xf32, #tpu.memory_space<vmem>>, vector<1x16xf32>,
            %get3A_435 = vector.shape_cast %get3A_434 : vector<1x16xf32> to vector<16xf32>
            %mul3A_436 = arith.constant 0.949999988 : f32
            %mul3A_437 = vector.broadcast %mul3A_436 : f32 to vector<16xf32>
            %mul3A_438 = arith.mulf %mul3A_437, %get3A_435 : vector<16xf32>
            %add3A_439 = arith.addf %mul3A_431, %mul3A_438 : vector<16xf32>
            %mul3A_440 = arith.mulf %bitcast_convert_type3A_219, %mul3A_415 : vector<16xf32>
            %mul3A_441 = arith.constant 5.000000e-02 : f32
            %mul3A_442 = vector.broadcast %mul3A_441 : f32 to vector<16xf32>
            %mul3A_443 = arith.mulf %mul3A_442, %mul3A_440 : vector<16xf32>
            %get3A_444 = arith.index_cast %sub3A : i32 to index
            %get3A_445 = arith.constant 32 : index
            %get3A_446 = tpu.vector_load %arg7[%get3A_444, %get3A_445] {strides = array<i32>} : memref<32x64xf32, #tpu.memory_space<vmem>>, vector<1x16xf32>,
            %get3A_447 = vector.shape_cast %get3A_446 : vector<1x16xf32> to vector<16xf32>
            %mul3A_448 = arith.constant 0.949999988 : f32
            %mul3A_449 = vector.broadcast %mul3A_448 : f32 to vector<16xf32>
            %mul3A_450 = arith.mulf %mul3A_449, %get3A_447 : vector<16xf32>
            %add3A_451 = arith.addf %mul3A_443, %mul3A_450 : vector<16xf32>
            %mul3A_452 = arith.mulf %bitcast_convert_type3A_223, %mul3A_415 : vector<16xf32>
            %mul3A_453 = arith.constant 5.000000e-02 : f32
            %mul3A_454 = vector.broadcast %mul3A_453 : f32 to vector<16xf32>
            %mul3A_455 = arith.mulf %mul3A_454, %mul3A_452 : vector<16xf32>
            %get3A_456 = arith.index_cast %sub3A : i32 to index
            %get3A_457 = arith.constant 48 : index
            %get3A_458 = tpu.vector_load %arg7[%get3A_456, %get3A_457] {strides = array<i32>} : memref<32x64xf32, #tpu.memory_space<vmem>>, vector<1x16xf32>,
            %get3A_459 = vector.shape_cast %get3A_458 : vector<1x16xf32> to vector<16xf32>
            %mul3A_460 = arith.constant 0.949999988 : f32
            %mul3A_461 = vector.broadcast %mul3A_460 : f32 to vector<16xf32>
            %mul3A_462 = arith.mulf %mul3A_461, %get3A_459 : vector<16xf32>
            %add3A_463 = arith.addf %mul3A_455, %mul3A_462 : vector<16xf32>
            %mul3A_464 = arith.mulf %add3A_427, %add3A_427 : vector<16xf32>
            %add3A_465 = arith.constant 0.000000e+00 : f32
            %add3A_466 = vector.broadcast %add3A_465 : f32 to vector<16xf32>
            %add3A_467 = arith.addf %add3A_466, %mul3A_464 : vector<16xf32>
            %mul3A_468 = arith.mulf %add3A_439, %add3A_439 : vector<16xf32>
            %add3A_469 = arith.addf %add3A_467, %mul3A_468 : vector<16xf32>
            %mul3A_470 = arith.mulf %add3A_451, %add3A_451 : vector<16xf32>
            %add3A_471 = arith.addf %add3A_469, %mul3A_470 : vector<16xf32>
            %mul3A_472 = arith.mulf %add3A_463, %add3A_463 : vector<16xf32>
            %add3A_473 = arith.addf %add3A_471, %mul3A_472 : vector<16xf32>
            %iota3A_474 = tpu.iota {dimensions = array<i32: 0>} : vector<16xi32>
            %add3A_475 = arith.constant 8 : i32
            %add3A_476 = vector.broadcast %add3A_475 : i32 to vector<16xi32>
            %add3A_477 = arith.addi %iota3A_474, %add3A_476 : vector<16xi32>
            %jit3A_478 = arith.constant 16 : i32
            %eq3A_479 = arith.constant 0 : i32
            %eq3A_480 = arith.cmpi eq, %jit3A_478, %eq3A_479 : i32
            %jit3A_481 = arith.constant 1 : i32
            %select_n3A_482 = arith.select %eq3A_480, %jit3A_481, %jit3A_478 : i32
            %rem3A_483 = vector.broadcast %select_n3A_482 : i32 to vector<16xi32>
            %rem3A_484 = arith.remsi %add3A_477, %rem3A_483 : vector<16xi32>
            %ne3A_485 = arith.constant 0 : i32
            %ne3A_486 = vector.broadcast %ne3A_485 : i32 to vector<16xi32>
            %ne3A_487 = arith.cmpi ne, %rem3A_484, %ne3A_486 : vector<16xi32>
            %lt3A_488 = arith.constant 0 : i32
            %lt3A_489 = vector.broadcast %lt3A_488 : i32 to vector<16xi32>
            %lt3A_490 = arith.cmpi slt, %rem3A_484, %lt3A_489 : vector<16xi32>
            %lt3A_491 = arith.constant 0 : i32
            %lt3A_492 = arith.cmpi slt, %select_n3A_482, %lt3A_491 : i32
            %ne3A_493 = vector.broadcast %lt3A_492 : i1 to vector<16xi1>
            %ne3A_494 = vector.broadcast %ne3A_493 : vector<16xi1> to vector<16xi1>
            %ne3A_495 = arith.xori %lt3A_490, %ne3A_494 : vector<16xi1>
            %and3A_496 = arith.andi %ne3A_495, %ne3A_487 : vector<16xi1>
            %add3A_497 = vector.broadcast %select_n3A_482 : i32 to vector<16xi32>
            %add3A_498 = arith.addi %rem3A_484, %add3A_497 : vector<16xi32>
            %select_n3A_499 = arith.select %and3A_496, %add3A_498, %rem3A_484 : vector<16xi1>, vector<16xi32>
            %lt3A_500 = arith.constant 0 : i32
            %lt3A_501 = vector.broadcast %lt3A_500 : i32 to vector<16xi32>
            %lt3A_502 = arith.cmpi slt, %select_n3A_499, %lt3A_501 : vector<16xi32>
            %add3A_503 = arith.constant 16 : i32
            %add3A_504 = vector.broadcast %add3A_503 : i32 to vector<16xi32>
            %add3A_505 = arith.addi %select_n3A_499, %add3A_504 : vector<16xi32>
            %select_n3A_506 = arith.select %lt3A_502, %add3A_505, %select_n3A_499 : vector<16xi1>, vector<16xi32>
            %broadcast_in_dim3A_507 = vector.shape_cast %select_n3A_506 : vector<16xi32> to vector<16x1xi32>
            %gather3A_508 = vector.shape_cast %broadcast_in_dim3A_507 : vector<16x1xi32> to vector<16xi32>
            %gather3A_509 = tpu.dynamic_gather %add3A_473[%gather3A_508] in [0] : vector<16xf32>, vector<16xi32> -> vector<16xf32>
            %add3A_510 = arith.addf %add3A_473, %gather3A_509 : vector<16xf32>
            %add3A_511 = arith.constant 4 : i32
            %add3A_512 = vector.broadcast %add3A_511 : i32 to vector<16xi32>
            %add3A_513 = arith.addi %iota3A_474, %add3A_512 : vector<16xi32>
            %jit3A_514 = arith.constant 16 : i32
            %eq3A_515 = arith.constant 0 : i32
            %eq3A_516 = arith.cmpi eq, %jit3A_514, %eq3A_515 : i32
            %jit3A_517 = arith.constant 1 : i32
            %select_n3A_518 = arith.select %eq3A_516, %jit3A_517, %jit3A_514 : i32
            %rem3A_519 = vector.broadcast %select_n3A_518 : i32 to vector<16xi32>
            %rem3A_520 = arith.remsi %add3A_513, %rem3A_519 : vector<16xi32>
            %ne3A_521 = arith.constant 0 : i32
            %ne3A_522 = vector.broadcast %ne3A_521 : i32 to vector<16xi32>
            %ne3A_523 = arith.cmpi ne, %rem3A_520, %ne3A_522 : vector<16xi32>
            %lt3A_524 = arith.constant 0 : i32
            %lt3A_525 = vector.broadcast %lt3A_524 : i32 to vector<16xi32>
            %lt3A_526 = arith.cmpi slt, %rem3A_520, %lt3A_525 : vector<16xi32>
            %lt3A_527 = arith.constant 0 : i32
            %lt3A_528 = arith.cmpi slt, %select_n3A_518, %lt3A_527 : i32
            %ne3A_529 = vector.broadcast %lt3A_528 : i1 to vector<16xi1>
            %ne3A_530 = vector.broadcast %ne3A_529 : vector<16xi1> to vector<16xi1>
            %ne3A_531 = arith.xori %lt3A_526, %ne3A_530 : vector<16xi1>
            %and3A_532 = arith.andi %ne3A_531, %ne3A_523 : vector<16xi1>
            %add3A_533 = vector.broadcast %select_n3A_518 : i32 to vector<16xi32>
            %add3A_534 = arith.addi %rem3A_520, %add3A_533 : vector<16xi32>
            %select_n3A_535 = arith.select %and3A_532, %add3A_534, %rem3A_520 : vector<16xi1>, vector<16xi32>
            %lt3A_536 = arith.constant 0 : i32
            %lt3A_537 = vector.broadcast %lt3A_536 : i32 to vector<16xi32>
            %lt3A_538 = arith.cmpi slt, %select_n3A_535, %lt3A_537 : vector<16xi32>
            %add3A_539 = arith.constant 16 : i32
            %add3A_540 = vector.broadcast %add3A_539 : i32 to vector<16xi32>
            %add3A_541 = arith.addi %select_n3A_535, %add3A_540 : vector<16xi32>
            %select_n3A_542 = arith.select %lt3A_538, %add3A_541, %select_n3A_535 : vector<16xi1>, vector<16xi32>
            %broadcast_in_dim3A_543 = vector.shape_cast %select_n3A_542 : vector<16xi32> to vector<16x1xi32>
            %gather3A_544 = vector.shape_cast %broadcast_in_dim3A_543 : vector<16x1xi32> to vector<16xi32>
            %gather3A_545 = tpu.dynamic_gather %add3A_510[%gather3A_544] in [0] : vector<16xf32>, vector<16xi32> -> vector<16xf32>
            %add3A_546 = arith.addf %add3A_510, %gather3A_545 : vector<16xf32>
            %add3A_547 = arith.constant 2 : i32
            %add3A_548 = vector.broadcast %add3A_547 : i32 to vector<16xi32>
            %add3A_549 = arith.addi %iota3A_474, %add3A_548 : vector<16xi32>
            %jit3A_550 = arith.constant 16 : i32
            %eq3A_551 = arith.constant 0 : i32
            %eq3A_552 = arith.cmpi eq, %jit3A_550, %eq3A_551 : i32
            %jit3A_553 = arith.constant 1 : i32
            %select_n3A_554 = arith.select %eq3A_552, %jit3A_553, %jit3A_550 : i32
            %rem3A_555 = vector.broadcast %select_n3A_554 : i32 to vector<16xi32>
            %rem3A_556 = arith.remsi %add3A_549, %rem3A_555 : vector<16xi32>
            %ne3A_557 = arith.constant 0 : i32
            %ne3A_558 = vector.broadcast %ne3A_557 : i32 to vector<16xi32>
            %ne3A_559 = arith.cmpi ne, %rem3A_556, %ne3A_558 : vector<16xi32>
            %lt3A_560 = arith.constant 0 : i32
            %lt3A_561 = vector.broadcast %lt3A_560 : i32 to vector<16xi32>
            %lt3A_562 = arith.cmpi slt, %rem3A_556, %lt3A_561 : vector<16xi32>
            %lt3A_563 = arith.constant 0 : i32
            %lt3A_564 = arith.cmpi slt, %select_n3A_554, %lt3A_563 : i32
            %ne3A_565 = vector.broadcast %lt3A_564 : i1 to vector<16xi1>
            %ne3A_566 = vector.broadcast %ne3A_565 : vector<16xi1> to vector<16xi1>
            %ne3A_567 = arith.xori %lt3A_562, %ne3A_566 : vector<16xi1>
            %and3A_568 = arith.andi %ne3A_567, %ne3A_559 : vector<16xi1>
            %add3A_569 = vector.broadcast %select_n3A_554 : i32 to vector<16xi32>
            %add3A_570 = arith.addi %rem3A_556, %add3A_569 : vector<16xi32>
            %select_n3A_571 = arith.select %and3A_568, %add3A_570, %rem3A_556 : vector<16xi1>, vector<16xi32>
            %lt3A_572 = arith.constant 0 : i32
            %lt3A_573 = vector.broadcast %lt3A_572 : i32 to vector<16xi32>
            %lt3A_574 = arith.cmpi slt, %select_n3A_571, %lt3A_573 : vector<16xi32>
            %add3A_575 = arith.constant 16 : i32
            %add3A_576 = vector.broadcast %add3A_575 : i32 to vector<16xi32>
            %add3A_577 = arith.addi %select_n3A_571, %add3A_576 : vector<16xi32>
            %select_n3A_578 = arith.select %lt3A_574, %add3A_577, %select_n3A_571 : vector<16xi1>, vector<16xi32>
            %broadcast_in_dim3A_579 = vector.shape_cast %select_n3A_578 : vector<16xi32> to vector<16x1xi32>
            %gather3A_580 = vector.shape_cast %broadcast_in_dim3A_579 : vector<16x1xi32> to vector<16xi32>
            %gather3A_581 = tpu.dynamic_gather %add3A_546[%gather3A_580] in [0] : vector<16xf32>, vector<16xi32> -> vector<16xf32>
            %add3A_582 = arith.addf %add3A_546, %gather3A_581 : vector<16xf32>
            %add3A_583 = arith.constant 1 : i32
            %add3A_584 = vector.broadcast %add3A_583 : i32 to vector<16xi32>
            %add3A_585 = arith.addi %iota3A_474, %add3A_584 : vector<16xi32>
            %jit3A_586 = arith.constant 16 : i32
            %eq3A_587 = arith.constant 0 : i32
            %eq3A_588 = arith.cmpi eq, %jit3A_586, %eq3A_587 : i32
            %jit3A_589 = arith.constant 1 : i32
            %select_n3A_590 = arith.select %eq3A_588, %jit3A_589, %jit3A_586 : i32
            %rem3A_591 = vector.broadcast %select_n3A_590 : i32 to vector<16xi32>
            %rem3A_592 = arith.remsi %add3A_585, %rem3A_591 : vector<16xi32>
            %ne3A_593 = arith.constant 0 : i32
            %ne3A_594 = vector.broadcast %ne3A_593 : i32 to vector<16xi32>
            %ne3A_595 = arith.cmpi ne, %rem3A_592, %ne3A_594 : vector<16xi32>
            %lt3A_596 = arith.constant 0 : i32
            %lt3A_597 = vector.broadcast %lt3A_596 : i32 to vector<16xi32>
            %lt3A_598 = arith.cmpi slt, %rem3A_592, %lt3A_597 : vector<16xi32>
            %lt3A_599 = arith.constant 0 : i32
            %lt3A_600 = arith.cmpi slt, %select_n3A_590, %lt3A_599 : i32
            %ne3A_601 = vector.broadcast %lt3A_600 : i1 to vector<16xi1>
            %ne3A_602 = vector.broadcast %ne3A_601 : vector<16xi1> to vector<16xi1>
            %ne3A_603 = arith.xori %lt3A_598, %ne3A_602 : vector<16xi1>
            %and3A_604 = arith.andi %ne3A_603, %ne3A_595 : vector<16xi1>
            %add3A_605 = vector.broadcast %select_n3A_590 : i32 to vector<16xi32>
            %add3A_606 = arith.addi %rem3A_592, %add3A_605 : vector<16xi32>
            %select_n3A_607 = arith.select %and3A_604, %add3A_606, %rem3A_592 : vector<16xi1>, vector<16xi32>
            %lt3A_608 = arith.constant 0 : i32
            %lt3A_609 = vector.broadcast %lt3A_608 : i32 to vector<16xi32>
            %lt3A_610 = arith.cmpi slt, %select_n3A_607, %lt3A_609 : vector<16xi32>
            %add3A_611 = arith.constant 16 : i32
            %add3A_612 = vector.broadcast %add3A_611 : i32 to vector<16xi32>
            %add3A_613 = arith.addi %select_n3A_607, %add3A_612 : vector<16xi32>
            %select_n3A_614 = arith.select %lt3A_610, %add3A_613, %select_n3A_607 : vector<16xi1>, vector<16xi32>
            %broadcast_in_dim3A_615 = vector.shape_cast %select_n3A_614 : vector<16xi32> to vector<16x1xi32>
            %gather3A_616 = vector.shape_cast %broadcast_in_dim3A_615 : vector<16x1xi32> to vector<16xi32>
            %gather3A_617 = tpu.dynamic_gather %add3A_582[%gather3A_616] in [0] : vector<16xf32>, vector<16xi32> -> vector<16xf32>
            %add3A_618 = arith.addf %add3A_582, %gather3A_617 : vector<16xf32>
            %max3A_619 = arith.constant 1.000000e-24 : f32
            %max3A_620 = vector.broadcast %max3A_619 : f32 to vector<16xf32>
            %max3A_621 = arith.maximumf %add3A_618, %max3A_620 : vector<16xf32>
            %bitcast_convert_type3A_622 = tpu.bitcast %max3A_621 : vector<16xf32> -> vector<16xi32>
            %shift_right_arithmetic3A_623 = arith.constant 1 : i32
            %shift_right_arithmetic3A_624 = vector.broadcast %shift_right_arithmetic3A_623 : i32 to vector<16xi32>
            %shift_right_arithmetic3A_625 = arith.shrsi %bitcast_convert_type3A_622, %shift_right_arithmetic3A_624 : vector<16xi32>
            %sub3A_626 = arith.constant 1597463007 : i32
            %sub3A_627 = vector.broadcast %sub3A_626 : i32 to vector<16xi32>
            %sub3A_628 = arith.subi %sub3A_627, %shift_right_arithmetic3A_625 : vector<16xi32>
            %bitcast_convert_type3A_629 = tpu.bitcast %sub3A_628 : vector<16xi32> -> vector<16xf32>
            %mul3A_630 = arith.constant 5.000000e-01 : f32
            %mul3A_631 = vector.broadcast %mul3A_630 : f32 to vector<16xf32>
            %mul3A_632 = arith.mulf %mul3A_631, %max3A_621 : vector<16xf32>
            %mul3A_633 = arith.mulf %mul3A_632, %bitcast_convert_type3A_629 : vector<16xf32>
            %mul3A_634 = arith.mulf %mul3A_633, %bitcast_convert_type3A_629 : vector<16xf32>
            %sub3A_635 = arith.constant 1.500000e+00 : f32
            %sub3A_636 = vector.broadcast %sub3A_635 : f32 to vector<16xf32>
            %sub3A_637 = arith.subf %sub3A_636, %mul3A_634 : vector<16xf32>
            %mul3A_638 = arith.mulf %bitcast_convert_type3A_629, %sub3A_637 : vector<16xf32>
            %mul3A_639 = arith.constant 5.000000e-01 : f32
            %mul3A_640 = vector.broadcast %mul3A_639 : f32 to vector<16xf32>
            %mul3A_641 = arith.mulf %mul3A_640, %max3A_621 : vector<16xf32>
            %mul3A_642 = arith.mulf %mul3A_641, %mul3A_638 : vector<16xf32>
            %mul3A_643 = arith.mulf %mul3A_642, %mul3A_638 : vector<16xf32>
            %sub3A_644 = arith.constant 1.500000e+00 : f32
            %sub3A_645 = vector.broadcast %sub3A_644 : f32 to vector<16xf32>
            %sub3A_646 = arith.subf %sub3A_645, %mul3A_643 : vector<16xf32>
            %mul3A_647 = arith.mulf %mul3A_638, %sub3A_646 : vector<16xf32>
            %mul3A_648 = arith.constant 5.000000e-01 : f32
            %mul3A_649 = vector.broadcast %mul3A_648 : f32 to vector<16xf32>
            %mul3A_650 = arith.mulf %mul3A_649, %max3A_621 : vector<16xf32>
            %mul3A_651 = arith.mulf %mul3A_650, %mul3A_647 : vector<16xf32>
            %mul3A_652 = arith.mulf %mul3A_651, %mul3A_647 : vector<16xf32>
            %sub3A_653 = arith.constant 1.500000e+00 : f32
            %sub3A_654 = vector.broadcast %sub3A_653 : f32 to vector<16xf32>
            %sub3A_655 = arith.subf %sub3A_654, %mul3A_652 : vector<16xf32>
            %mul3A_656 = arith.mulf %mul3A_647, %sub3A_655 : vector<16xf32>
            %mul3A_657 = arith.mulf %add3A_427, %mul3A_656 : vector<16xf32>
            %swap3A = arith.index_cast %sub3A : i32 to index
            %swap3A_658 = arith.constant 0 : index
            %swap3A_659 = tpu.vector_load %arg7[%swap3A, %swap3A_658] {strides = array<i32>} : memref<32x64xf32, #tpu.memory_space<vmem>>, vector<1x16xf32>,
            %swap3A_660 = vector.shape_cast %swap3A_659 : vector<1x16xf32> to vector<16xf32>
            %swap3A_661 = vector.shape_cast %mul3A_657 : vector<16xf32> to vector<1x16xf32>
            tpu.vector_store %arg7[%swap3A, %swap3A_658], %swap3A_661 {strides = array<i32>} : memref<32x64xf32, #tpu.memory_space<vmem>>, vector<1x16xf32>,
            %mul3A_662 = arith.mulf %add3A_439, %mul3A_656 : vector<16xf32>
            %swap3A_663 = arith.index_cast %sub3A : i32 to index
            %swap3A_664 = arith.constant 16 : index
            %swap3A_665 = tpu.vector_load %arg7[%swap3A_663, %swap3A_664] {strides = array<i32>} : memref<32x64xf32, #tpu.memory_space<vmem>>, vector<1x16xf32>,
            %swap3A_666 = vector.shape_cast %swap3A_665 : vector<1x16xf32> to vector<16xf32>
            %swap3A_667 = vector.shape_cast %mul3A_662 : vector<16xf32> to vector<1x16xf32>
            tpu.vector_store %arg7[%swap3A_663, %swap3A_664], %swap3A_667 {strides = array<i32>} : memref<32x64xf32, #tpu.memory_space<vmem>>, vector<1x16xf32>,
            %mul3A_668 = arith.mulf %add3A_451, %mul3A_656 : vector<16xf32>
            %swap3A_669 = arith.index_cast %sub3A : i32 to index
            %swap3A_670 = arith.constant 32 : index
            %swap3A_671 = tpu.vector_load %arg7[%swap3A_669, %swap3A_670] {strides = array<i32>} : memref<32x64xf32, #tpu.memory_space<vmem>>, vector<1x16xf32>,
            %swap3A_672 = vector.shape_cast %swap3A_671 : vector<1x16xf32> to vector<16xf32>
            %swap3A_673 = vector.shape_cast %mul3A_668 : vector<16xf32> to vector<1x16xf32>
            tpu.vector_store %arg7[%swap3A_669, %swap3A_670], %swap3A_673 {strides = array<i32>} : memref<32x64xf32, #tpu.memory_space<vmem>>, vector<1x16xf32>,
            %mul3A_674 = arith.mulf %add3A_463, %mul3A_656 : vector<16xf32>
            %swap3A_675 = arith.index_cast %sub3A : i32 to index
            %swap3A_676 = arith.constant 48 : index
            %swap3A_677 = tpu.vector_load %arg7[%swap3A_675, %swap3A_676] {strides = array<i32>} : memref<32x64xf32, #tpu.memory_space<vmem>>, vector<1x16xf32>,
            %swap3A_678 = vector.shape_cast %swap3A_677 : vector<1x16xf32> to vector<16xf32>
            %swap3A_679 = vector.shape_cast %mul3A_674 : vector<16xf32> to vector<1x16xf32>
            tpu.vector_store %arg7[%swap3A_675, %swap3A_676], %swap3A_679 {strides = array<i32>} : memref<32x64xf32, #tpu.memory_space<vmem>>, vector<1x16xf32>,
          } else {
          }
        }
        %scan3A_180 = arith.constant 16 : i32
      } else {
      }
    }
    %scan3A_23 = arith.constant 64 : i32
    "tpu.region"() ({
      %run_scoped3A = tpu.sem_alloc : memref<!tpu.dma_semaphore, #tpu.memory_space<semaphore_mem>>
      %dma_start3A_24 = arith.constant 0 : i32
      %dma_start3A_25 = tpu.memref_slice %arg5[%mul3A_2, %dma_start3A_24] : memref<1024x64xf32, #tpu.memory_space<hbm>> -> memref<32x64xf32, #tpu.memory_space<hbm>>
      %dma_start3A_26 = arith.constant 0 : i32
      %dma_start3A_27 = tpu.memref_slice %arg5[%mul3A_2, %dma_start3A_26] : memref<1024x64xf32, #tpu.memory_space<hbm>> -> memref<32x64xf32, #tpu.memory_space<hbm>>
      tpu.enqueue_dma source(%arg7 : memref<32x64xf32, #tpu.memory_space<vmem>>) target(%dma_start3A_27 : memref<32x64xf32, #tpu.memory_space<hbm>>) target_semaphore(%run_scoped3A : memref<!tpu.dma_semaphore, #tpu.memory_space<semaphore_mem>>)
      %dma_wait3A_28 = arith.constant 0 : i32
      %dma_wait3A_29 = tpu.memref_slice %arg5[%mul3A_2, %dma_wait3A_28] : memref<1024x64xf32, #tpu.memory_space<hbm>> -> memref<32x64xf32, #tpu.memory_space<hbm>>
      %dma_wait3A_30 = arith.constant 0 : i32
      %dma_wait3A_31 = tpu.memref_slice %arg5[%mul3A_2, %dma_wait3A_30] : memref<1024x64xf32, #tpu.memory_space<hbm>> -> memref<32x64xf32, #tpu.memory_space<hbm>>
      tpu.wait_dma2 semaphore(%run_scoped3A : memref<!tpu.dma_semaphore, #tpu.memory_space<semaphore_mem>>) src(%arg7 : memref<32x64xf32, #tpu.memory_space<vmem>>) dst(%dma_wait3A_31 : memref<32x64xf32, #tpu.memory_space<hbm>>)
      tpu.yield
    }) : () -> ()
    return
  }
}

module attributes {stable_mosaic.version = 14 : i64} {
  func.func @_tc_loss_body(%arg0: memref<1024x64xf32, #tpu.memory_space<vmem>>, %arg1: memref<1024x64xf32, #tpu.memory_space<vmem>>, %arg2: memref<1x1024xf32, #tpu.memory_space<vmem>>, %arg3: memref<1024x1xi32, #tpu.memory_space<vmem>>, %arg4: memref<50x1xf32, #tpu.memory_space<vmem>>, %arg5: memref<50x1xf32, #tpu.memory_space<vmem>>, %arg6: memref<1x1xf32, #tpu.memory_space<smem>>) attributes {dimension_semantics = [], scalar_prefetch = 0 : i64, scratch_operands = 0 : i64, tpu.core_type = #tpu.core_type<tc>} {
    %get3A = arith.constant 0 : index
    %get3A_0 = arith.constant 0 : index
    %get3A_1 = vector.load %arg0[%get3A, %get3A_0] : memref<1024x64xf32, #tpu.memory_space<vmem>>, vector<1024x64xf32>
    %get3A_2 = arith.constant 0 : index
    %get3A_3 = arith.constant 0 : index
    %get3A_4 = vector.load %arg1[%get3A_2, %get3A_3] : memref<1024x64xf32, #tpu.memory_space<vmem>>, vector<1024x64xf32>
    %get3A_5 = arith.constant 0 : index
    %get3A_6 = arith.constant 0 : index
    %get3A_7 = vector.load %arg2[%get3A_5, %get3A_6] : memref<1x1024xf32, #tpu.memory_space<vmem>>, vector<1x1024xf32>
    %max3A = arith.constant 0.000000e+00 : f32
    %max3A_8 = vector.broadcast %max3A : f32 to vector<1x1024xf32>
    %max3A_9 = arith.maximumf %get3A_7, %max3A_8 : vector<1x1024xf32>
    %get3A_10 = arith.constant 0 : index
    %get3A_11 = arith.constant 0 : index
    %get3A_12 = vector.load %arg3[%get3A_10, %get3A_11] : memref<1024x1xi32, #tpu.memory_space<vmem>>, vector<1024x1xi32>
    %broadcast_in_dim3A = arith.constant 1.000000e+00 : f32
    %broadcast_in_dim3A_13 = vector.broadcast %broadcast_in_dim3A : f32 to vector<1x64xf32>
    %mul3A = arith.mulf %get3A_1, %get3A_1 : vector<1024x64xf32>
    %reduce_sum3A = arith.constant dense<0.000000e+00> : vector<1024xf32>
    %reduce_sum3A_14 = vector.multi_reduction <add>, %mul3A, %reduce_sum3A [1] : vector<1024x64xf32> to vector<1024xf32>
    %broadcast_in_dim3A_15 = vector.shape_cast %reduce_sum3A_14 : vector<1024xf32> to vector<1024x1xf32>
    %sqrt3A = math.sqrt %broadcast_in_dim3A_15 : vector<1024x1xf32>
    %max3A_16 = arith.constant 9.99999993E-9 : f32
    %max3A_17 = vector.broadcast %max3A_16 : f32 to vector<1024x1xf32>
    %max3A_18 = arith.maximumf %sqrt3A, %max3A_17 : vector<1024x1xf32>
    %mul3A_19 = arith.mulf %get3A_4, %get3A_4 : vector<1024x64xf32>
    %dot_general3A = arith.constant dense<0.000000e+00> : vector<1x1024xf32>
    %dot_general3A_20 = tpu.matmul %broadcast_in_dim3A_13, %mul3A_19, %dot_general3A {dimension_numbers = #tpu.dot_dimension_numbers<[1], [1], [0], [0], [0, 0, 1, 0], [], []>, transpose_lhs_hint = false} : vector<1x64xf32>, vector<1024x64xf32>, vector<1x1024xf32> -> vector<1x1024xf32>
    %sqrt3A_21 = math.sqrt %dot_general3A_20 : vector<1x1024xf32>
    %max3A_22 = arith.constant 9.99999993E-9 : f32
    %max3A_23 = vector.broadcast %max3A_22 : f32 to vector<1x1024xf32>
    %max3A_24 = arith.maximumf %sqrt3A_21, %max3A_23 : vector<1x1024xf32>
    %dot_general3A_25 = arith.constant dense<0.000000e+00> : vector<1024x1024xf32>
    %dot_general3A_26 = tpu.matmul %get3A_1, %get3A_4, %dot_general3A_25 {dimension_numbers = #tpu.dot_dimension_numbers<[1], [1], [0], [0], [0, 0, 1, 0], [], []>, transpose_lhs_hint = false} : vector<1024x64xf32>, vector<1024x64xf32>, vector<1024x1024xf32> -> vector<1024x1024xf32>
    %mul3A_27 = vector.broadcast %max3A_18 : vector<1024x1xf32> to vector<1024x1024xf32>
    %mul3A_28 = vector.broadcast %max3A_24 : vector<1x1024xf32> to vector<1024x1024xf32>
    %mul3A_29 = arith.mulf %mul3A_27, %mul3A_28 : vector<1024x1024xf32>
    %div3A = arith.divf %dot_general3A_26, %mul3A_29 : vector<1024x1024xf32>
    %log3A = math.log %max3A_9 : vector<1x1024xf32>
    %get3A_30 = arith.constant 0 : index
    %get3A_31 = arith.constant 0 : index
    %get3A_32 = vector.load %arg4[%get3A_30, %get3A_31] : memref<50x1xf32, #tpu.memory_space<vmem>>, vector<50x1xf32>
    %sub3A = arith.constant 0.693147182 : f32
    %sub3A_33 = vector.broadcast %sub3A : f32 to vector<1x1024xf32>
    %sub3A_34 = arith.subf %log3A, %sub3A_33 : vector<1x1024xf32>
    %mul3A_35 = vector.broadcast %get3A_32 : vector<50x1xf32> to vector<50x1024xf32>
    %mul3A_36 = vector.broadcast %sub3A_34 : vector<1x1024xf32> to vector<50x1024xf32>
    %mul3A_37 = arith.mulf %mul3A_35, %mul3A_36 : vector<50x1024xf32>
    %get3A_38 = arith.constant 0 : index
    %get3A_39 = arith.constant 0 : index
    %get3A_40 = vector.load %arg5[%get3A_38, %get3A_39] : memref<50x1xf32, #tpu.memory_space<vmem>>, vector<50x1xf32>
    %sub3A_41 = vector.broadcast %get3A_40 : vector<50x1xf32> to vector<50x1024xf32>
    %sub3A_42 = arith.subf %mul3A_37, %sub3A_41 : vector<50x1024xf32>
    %reduce_max3A = arith.constant dense<0xFF800000> : vector<1024xf32>
    %reduce_max3A_43 = vector.multi_reduction <maximumf>, %sub3A_42, %reduce_max3A [0] : vector<50x1024xf32> to vector<1024xf32>
    %broadcast_in_dim3A_44 = vector.shape_cast %reduce_max3A_43 : vector<1024xf32> to vector<1x1024xf32>
    %sub3A_45 = vector.broadcast %broadcast_in_dim3A_44 : vector<1x1024xf32> to vector<50x1024xf32>
    %sub3A_46 = arith.subf %sub3A_42, %sub3A_45 : vector<50x1024xf32>
    %exp3A = math.exp %sub3A_46 : vector<50x1024xf32>
    %reduce_sum3A_47 = arith.constant dense<0.000000e+00> : vector<1024xf32>
    %reduce_sum3A_48 = vector.multi_reduction <add>, %exp3A, %reduce_sum3A_47 [0] : vector<50x1024xf32> to vector<1024xf32>
    %broadcast_in_dim3A_49 = vector.shape_cast %reduce_sum3A_48 : vector<1024xf32> to vector<1x1024xf32>
    %log3A_50 = math.log %broadcast_in_dim3A_49 : vector<1x1024xf32>
    %add3A = arith.addf %broadcast_in_dim3A_44, %log3A_50 : vector<1x1024xf32>
    %mul3A_51 = arith.constant 3.100000e+01 : f32
    %mul3A_52 = vector.broadcast %mul3A_51 : f32 to vector<1x1024xf32>
    %mul3A_53 = arith.mulf %mul3A_52, %log3A : vector<1x1024xf32>
    %add3A_54 = arith.constant -58.8120651 : f32
    %add3A_55 = vector.broadcast %add3A_54 : f32 to vector<1x1024xf32>
    %add3A_56 = arith.addf %add3A_55, %mul3A_53 : vector<1x1024xf32>
    %sub3A_57 = arith.subf %add3A_56, %add3A : vector<1x1024xf32>
    %exp3A_58 = math.exp %sub3A_57 : vector<1x1024xf32>
    %iota3A = tpu.iota {dimensions = array<i32: 1>} : vector<1x1024xi32>
    %lt3A = arith.constant 1000 : i32
    %lt3A_59 = vector.broadcast %lt3A : i32 to vector<1x1024xi32>
    %lt3A_60 = arith.cmpi slt, %iota3A, %lt3A_59 : vector<1x1024xi32>
    %jit3A = arith.constant 0.000000e+00 : f32
    %broadcast_in_dim3A_61 = vector.broadcast %jit3A : f32 to vector<1x1024xf32>
    %select_n3A = arith.select %lt3A_60, %exp3A_58, %broadcast_in_dim3A_61 : vector<1x1024xi1>, vector<1x1024xf32>
    %mul3A_62 = vector.broadcast %max3A_9 : vector<1x1024xf32> to vector<1024x1024xf32>
    %mul3A_63 = arith.mulf %div3A, %mul3A_62 : vector<1024x1024xf32>
    %exp3A_64 = math.exp %mul3A_63 : vector<1024x1024xf32>
    %mul3A_65 = vector.broadcast %select_n3A : vector<1x1024xf32> to vector<1024x1024xf32>
    %mul3A_66 = arith.mulf %mul3A_65, %exp3A_64 : vector<1024x1024xf32>
    %reduce_sum3A_67 = arith.constant dense<0.000000e+00> : vector<1024xf32>
    %reduce_sum3A_68 = vector.multi_reduction <add>, %mul3A_66, %reduce_sum3A_67 [1] : vector<1024x1024xf32> to vector<1024xf32>
    %broadcast_in_dim3A_69 = vector.shape_cast %reduce_sum3A_68 : vector<1024xf32> to vector<1024x1xf32>
    %iota3A_70 = tpu.iota {dimensions = array<i32: 1>} : vector<1024x1024xi32>
    %eq3A = vector.broadcast %get3A_12 : vector<1024x1xi32> to vector<1024x1024xi32>
    %eq3A_71 = arith.cmpi eq, %iota3A_70, %eq3A : vector<1024x1024xi32>
    %jit3A_72 = arith.constant 0.000000e+00 : f32
    %broadcast_in_dim3A_73 = vector.broadcast %jit3A_72 : f32 to vector<1024x1024xf32>
    %select_n3A_74 = arith.select %eq3A_71, %mul3A_66, %broadcast_in_dim3A_73 : vector<1024x1024xi1>, vector<1024x1024xf32>
    %reduce_sum3A_75 = arith.constant dense<0.000000e+00> : vector<1024xf32>
    %reduce_sum3A_76 = vector.multi_reduction <add>, %select_n3A_74, %reduce_sum3A_75 [1] : vector<1024x1024xf32> to vector<1024xf32>
    %broadcast_in_dim3A_77 = vector.shape_cast %reduce_sum3A_76 : vector<1024xf32> to vector<1024x1xf32>
    %div3A_78 = arith.divf %broadcast_in_dim3A_77, %broadcast_in_dim3A_69 : vector<1024x1xf32>
    %add3A_79 = arith.constant 9.99999997E-7 : f32
    %add3A_80 = vector.broadcast %add3A_79 : f32 to vector<1024x1xf32>
    %add3A_81 = arith.addf %div3A_78, %add3A_80 : vector<1024x1xf32>
    %log3A_82 = math.log %add3A_81 : vector<1024x1xf32>
    %reduce_sum3A_83 = vector.shape_cast %log3A_82 : vector<1024x1xf32> to vector<1x1024x1xf32>
    %reduce_sum3A_84 = arith.constant dense<0.000000e+00> : vector<1xf32>
    %reduce_sum3A_85 = vector.multi_reduction <add>, %reduce_sum3A_83, %reduce_sum3A_84 [1, 2] : vector<1x1024x1xf32> to vector<1xf32>
    %reduce_sum3A_86 = vector.shape_cast %reduce_sum3A_85 : vector<1xf32> to vector<1x1x1xf32>
    %reduce_sum3A_87 = vector.extract %reduce_sum3A_86[0, 0, 0] : f32 from vector<1x1x1xf32>
    %div3A_88 = arith.constant 1.024000e+03 : f32
    %div3A_89 = arith.divf %reduce_sum3A_87, %div3A_88 : f32
    %neg3A = arith.constant 0.000000e+00 : f32
    %neg3A_90 = arith.subf %neg3A, %div3A_89 : f32
    %swap3A = arith.constant 0 : index
    %swap3A_91 = arith.constant 0 : index
    %swap3A_92 = memref.load %arg6[%swap3A, %swap3A_91] : memref<1x1xf32, #tpu.memory_space<smem>>
    memref.store %neg3A_90, %arg6[%swap3A, %swap3A_91] : memref<1x1xf32, #tpu.memory_space<smem>>
    return
  }
}

</mosaic_0001>

<sc_bundles>
// kernel: kernel.4.cloned.1.call-start
scs
__scs_entry_jumppad:
0x0: {  	(pc) =	sbr.rel $0x88, $3  }
0x1: {  	(tag) =	ssettag $0x0;
	lr =	simm.s32 $0x1  }
0x2: {  	[smem:$0x3F9D] =	sst lr;
	_ =	strace $0xD0000000  }
0x3: {  	_ = 	snop  }
0x4: {  	_ = 	snop  }
0x5: {  	_ = 	snop  }
0x6: {  	_ = 	snop  }
0x7: {  	_ = 	snop  }
__scs_overlays_trampoline_lowered:
0x8: {  	[smem:$0x3FAC] =	sst s0  }
0x9: {  	[smem:$0x3FAD] =	sst s1  }
0xa: {  	[smem:$0x3FAE] =	sst s2  }
0xb: {  	[smem:$0x3FAF] =	sst s3  }
0xc: {  	[smem:$0x3FB0] =	sst s4  }
0xd: {  	[smem:$0x3FB1] =	sst s5  }
0xe: {  	[smem:$0x3FB2] =	sst s6  }
0xf: {  	[smem:$0x3FB3] =	sst s7  }
0x10: {  	[smem:$0x3FB4] =	sst s8  }
0x11: {  	[smem:$0x3FB5] =	sst s9;
	s0 =	simm.s32 @!p0 $0x0  }
0x12: {  	s1 =	sld [smem:$0x3F9B];
	s0 =	simm.s32 @p0 $0x1  }
0x13: {  	[smem:$0x3FB6] =	sst s0;
	s0 =	simm.s32 @!p1 $0x0  }
0x14: {  	s2 =	sld [smem:$0x3F9A];
	s0 =	simm.s32 @p1 $0x1  }
0x15: {  	[smem:$0x3FB7] =	sst s0;
	s0 =	simm.s32 @!p2 $0x0  }
0x16: {  	s3 =	sld [smem:$0x3FDB];
	s0 =	simm.s32 @p2 $0x1  }
0x17: {  	s4 =	simm.s32 $0x1BF5;
	[smem:$0x3FB9] =	sst s0  }
0x18: {  	s0 =	sld [smem:$0x3F9C];
	_ =	swait.ge [sflag:s4], $0x0  }
0x19: {  	s7 =	sld [smem:$0x3F9D]  }
0x1a: {  	s8 =	sadd.s32 $0xFFFFE003, lr  }
0x1b: {  	s9 =	sadd.s32 $0xFFFFFEF7, lr;
	s5 =	simm.s32 $0xFFFFFFFF;
	p2 =	slt.u32 s8, $0xFFFFF086  }
0x1c: {  	p1 =	slt.u32 s9, $0xF7A;
	s5 =	simm.s32 @!p2 $0x0  }
0x1d: {  	s5 =	simm.s32 @p1 $0x1;
	p0 =	seq.s32 s7, s2  }
0x1e: {  	s7 =	smul.u32 @!p0 $0xF7A, s2;
	p2 =	seq.s32 @!p0 s5, $0x0  }
0x1f: {  	s9 =	smul.u32 $0xF7A, s1;
	s8 =	simm.s32 @!p0 $0x1BF5;
	p2 =	por !p2, p0  }
0x20: {  	[sflag:s8] =	ssyncset.s32 @!p0 $0xFFFFF086;
	s6 =	sadd.s32 @!p0 s3, s7;
	s7 =	simm.s32 @!p0 $0x108  }
0x21: {  	s3 =	sadd.s32 s3, s9;
	s6 =	sadd.s32 @!p0 $0x88, s6;
	s7 =	simm.s32 @p2 $0x1082  }
0x22: {  	[simem:s7], [sflag:s8] =	dma.local @!p0 [hbm:s6], $0xF7A  }
0x23: {  	s9 =	sor.u32 $0xD0000000, s2;
	s6 =	simm.s32 $0x108;
	_ =	swait.ge @!p0 [sflag:s8], $0x0  }
0x24: {  	s3 =	sadd.s32 $0x88, s3;
	s6 =	simm.s32 @!p1 $0x1082;
	[sflag:s4] =	ssyncset.s32 $0xFFFFF086  }
0x25: {  	[simem:s6], [sflag:s4] =	dma.local [hbm:s3], $0xF7A  }
0x26: {  	[smem:$0x3F9D] =	sst s1;
	(tag) =	ssettag s2;
	_ =	strace s9  }
0x27: {  	s1 =	sld [smem:$0x3FAD]  }
0x28: {  	s2 =	sld [smem:$0x3FAE]  }
0x29: {  	s4 =	sld [smem:$0x3FB0]  }
0x2a: {  	p0 =	seq.s32 s5, $0x0;
	s5 =	sld [smem:$0x3FB1]  }
0x2b: {  	s6 =	sld [smem:$0x3FB2]  }
0x2c: {  	s7 =	sld [smem:$0x3FB3]  }
0x2d: {  	s3 =	simm.s32 $0x108;
	s8 =	sld [smem:$0x3FB4]  }
0x2e: {  	s3 =	simm.s32 @!p0 $0x1082;
	s9 =	sld [smem:$0x3FB5]  }
0x2f: {  	lr =	sadd.s32 s0, s3;
	s0 =	sld [smem:$0x3FAC]  }
0x30: {  	s3 =	sld [smem:$0x3FAF]  }
0x31: {  	[smem:$0x3FB8] =	sst s10  }
0x32: {  	s10 =	sld [smem:$0x3FB6];
	_ =	sdelay $0x3  }
0x33: {  	p0 =	seq.s32 s10, $0x1;
	s10 =	sld [smem:$0x3FB8];
	_ =	sdelay $0x3  }
0x34: {  	[smem:$0x3FB8] =	sst s10  }
0x35: {  	s10 =	sld [smem:$0x3FB7];
	_ =	sdelay $0x3  }
0x36: {  	p1 =	seq.s32 s10, $0x1;
	s10 =	sld [smem:$0x3FB8];
	_ =	sdelay $0x3  }
0x37: {  	[smem:$0x3FB8] =	sst s10  }
0x38: {  	s10 =	sld [smem:$0x3FB9]  }
0x39: {  	_ = 	snop;
	(pc) =	sbr.ind lr, $3  }
0x3a: {  	_ = 	snop  }
0x3b: {  	_ = 	snop  }
0x3c: {  	p2 =	seq.s32 s10, $0x1;
	s10 =	sld [smem:$0x3FB8]  }
0x3d: {  	_ =	shalt  }
0x3e: {  	_ =	shalt  }
0x3f: {  	_ =	shalt  }
0x40: {  	_ =	shalt  }
0x41: {  	_ =	shalt  }
0x42: {  	_ =	shalt  }
0x43: {  	_ =	shalt  }
0x44: {  	_ =	shalt  }
0x45: {  	_ =	shalt  }
0x46: {  	_ =	shalt  }
0x47: {  	_ =	shalt  }
0x48: {  	_ =	shalt  }
0x49: {  	_ =	shalt  }
0x4a: {  	_ =	shalt  }
0x4b: {  	_ =	shalt  }
0x4c: {  	_ =	shalt  }
0x4d: {  	_ =	shalt  }
0x4e: {  	_ =	shalt  }
0x4f: {  	_ =	shalt  }
0x50: {  	_ =	shalt  }
0x51: {  	_ =	shalt  }
0x52: {  	_ =	shalt  }
0x53: {  	_ =	shalt  }
0x54: {  	_ =	shalt  }
0x55: {  	_ =	shalt  }
0x56: {  	_ =	shalt  }
0x57: {  	_ =	shalt  }
0x58: {  	_ =	shalt  }
0x59: {  	_ =	shalt  }
0x5a: {  	_ =	shalt  }
0x5b: {  	_ =	shalt  }
0x5c: {  	_ =	shalt  }
0x5d: {  	_ =	shalt  }
0x5e: {  	_ =	shalt  }
0x5f: {  	_ =	shalt  }
0x60: {  	_ =	shalt  }
0x61: {  	_ =	shalt  }
0x62: {  	_ =	shalt  }
0x63: {  	_ =	shalt  }
0x64: {  	_ =	shalt  }
0x65: {  	_ =	shalt  }
0x66: {  	_ =	shalt  }
0x67: {  	_ =	shalt  }
0x68: {  	_ =	shalt  }
0x69: {  	_ =	shalt  }
0x6a: {  	_ =	shalt  }
0x6b: {  	_ =	shalt  }
0x6c: {  	_ =	shalt  }
0x6d: {  	_ =	shalt  }
0x6e: {  	_ =	shalt  }
0x6f: {  	_ =	shalt  }
0x70: {  	_ =	shalt  }
0x71: {  	_ =	shalt  }
0x72: {  	_ =	shalt  }
0x73: {  	_ =	shalt  }
0x74: {  	_ =	shalt  }
0x75: {  	_ =	shalt  }
0x76: {  	_ =	shalt  }
0x77: {  	_ =	shalt  }
0x78: {  	_ =	shalt  }
0x79: {  	_ =	shalt  }
0x7a: {  	_ =	shalt  }
0x7b: {  	_ =	shalt  }
0x7c: {  	_ =	shalt  }
0x7d: {  	_ =	shalt  }
0x7e: {  	_ =	shalt  }
0x7f: {  	_ =	shalt  }
0x80: {  	_ =	shalt  }
0x81: {  	_ =	shalt  }
0x82: {  	_ =	shalt  }
0x83: {  	_ =	shalt  }
0x84: {  	_ =	shalt  }
0x85: {  	_ =	shalt  }
0x86: {  	_ =	shalt  }
0x87: {  	_ =	shalt  }
.Lfunc_end0:
.L_simem_size_0:
called_computation_lowered:
.L_overlay_start_0:
0x88: {  	s2 =	sld [smem:$0x3FD9]  }
0x89: {  	s3 =	sld [smem:$0x3FFE];
	_ =	sdelay $0x1  }
0x8a: {  	s1 =	srdreg.scid  }
0x8b: {  	s0 =	sand.u32 $0x1, s1  }
0x8c: {  	s17 =	sshll.u32 s0, $0xA;
	s2 =	sadd.s32 s3, s2  }
0x8d: {  	s2 =	sadd.s32 s2, s17  }
0x8e: {  	[smem:$0x3FC4] =	sst s2  }
0x8f: {  	_ = 	snop  }
0x90: {  	s2 =	sld [smem:$0x3FC7];
	(tm) =	ssettm $0x1  }
0x91: {  	s18 =	sld [smem:$0x3FFB];
	_ =	sdelay $0x3  }
0x92: {  	_ =	strace s18  }
0x93: {  	s3 =	sld [smem:$0x3FFC];
	_ =	sdelay $0x3  }
0x94: {  	_ =	strace s3  }
0x95: {  	s3 =	sld [smem:$0x3FFD];
	_ =	sdelay $0x3  }
0x96: {  	_ =	strace s3  }
0x97: {  	_ =	strace $0x8FFFFFFF  }
0x98: {  	s19 =	sld [smem:$0x3FDB];
	_ =	sdelay $0x1  }
0x99: {  	s4 =	simm.s32 $_scs_section_size  }
0x9a: {  	s5 =	simm.s32 $_size__tile_overlayer_lowered;
	s6 =	simm.s32 $_tile_overlayer_lowered  }
0x9b: {  	s22 =	simm.s32 $0x1BFF;
	s21 =	sshll.u32 s6, $0x1;
	s3 =	sadd.s32 s4, s19  }
0x9c: {  	s7 =	simm.s32 $0x0;
	s20 =	sshll.u32 s5, $0x1;
	s5 =	sadd.s32 s21, s3  }
0x9d: {  	[timem:s7], [sflag:s22] =	dma.local [hbm:s5], s20  }
0x9e: {  	_ =	swait.ge [sflag:s22], s20  }
0x9f: {  	s4 =	ssub.s32 $0x0, s20;
	[sflag:s22] =	ssyncset.done $0x0  }
0xa0: {  	[sflag:s22] =	ssyncadd.s32 s4;
	_ =	sdelay $0x1  }
0xa1: {  	s23 =	simm.s32 $0x1B8B  }
0xa2: {  	_ =	swait.ge [sflag:s23], $0x1  }
0xa3: {  	[sflag:s23] =	ssyncset.done $0x0  }
0xa4: {  	s25 =	simm.s32 $0x1B8E;
	s24 =	sld [smem:$0x3FFE];
	[sflag:s23] =	ssyncadd.s32 $0xFFFFFFFF  }
0xa5: {  	s26 =	simm.s32 $execute0_lowered;
	[smem:$0x3FD2] =	sst s25  }
0xa6: {  	s5 =	sshll.u32 s26, $0x1;
	_ =	strace $0x80000046;
	[dreg:$0x1] =	wrdreg $0xFFFFFFFF  }
0xa7: {  	s28 =	simm.s32 $_size_execute0_lowered;
	s3 =	sadd.s32 s3, s5;
	[dreg:$0x0] =	wrdreg $0x0  }
0xa8: {  	s5 =	sshll.u32 s28, $0x1;
	[dreg:$0x2] =	wrdreg s3  }
0xa9: {  	[dreg:$0x3] =	wrdreg s5  }
0xaa: {  	[dreg:$0x4] =	wrdreg $0xC0  }
0xab: {  	_ =	task [dreg:s7], $0x5FFFF  }
0xac: {  	[dreg:$0x1] =	wrdreg $0xFFFFFFFF  }
0xad: {  	[dreg:$0x0] =	wrdreg $0x60  }
0xae: {  	[dreg:$0x2] =	wrdreg s24  }
0xaf: {  	[dreg:$0x3] =	wrdreg s2  }
0xb0: {  	[dreg:$0x4] =	wrdreg $0x9  }
0xb1: {  	_ =	task.clear_ibuf [dreg:s7], $0x5FFFF;
	_ =	strace $0x90000046  }
0xb2: {  	s29 =	simm.s32 $0x9;
	_ =	strace $0x80000048  }
0xb3: {  	_ =	swait.ge [sflag:s29], $0x1  }
0xb4: {  	[sflag:s29] =	ssyncadd.s32 $0xFFFFFFFF  }
0xb5: {  	_ =	strace $0x90000048  }
0xb6: {  	_ =	sfence  }
0xb7: {  	s30 =	sld [smem:$0x0];
	_ =	sdelay $0x2  }
0xb8: {  	s31 =	sshll.u32 s1, $0xD;
	s1 =	sshrl.u32 s1, $0x2  }
0xb9: {  	s3 =	sand.u32 $0x4000, s31;
	s1 =	sadd.s32 s1, s30  }
0xba: {  	s0 =	sor.u32 s3, s0;
	s1 =	sshll.u32 s1, $0x11  }
0xbb: {  	s0 =	sor.u32 s1, s0  }
0xbc: {  	s0 =	sadd.s32 $0x8F2B, s0  }
0xbd: {  	[sflag:s0] =	ssyncadd.remote.s32 $0x1  }
0xbe: {  	_ =	sfence.sel $0xFFFF  }
0xbf: {  	[dreg:$0x0] =	wrdreg $0xFFFFFFFF;
	(pc) =	sbr.abs _section_cstart, $3  }
0xc0: {  	[dreg:$0x1] =	wrdreg $0xFFFFFFFF  }
0xc1: {  	_ =	task.clear_ibuf [dreg:s7], $0x2FFFF;
	_ =	strace $0x9FFFFFFF  }
0xc2: {  	(tm) =	ssettm $0x7FFFFFFF  }
0xc3: {  	_ =	shalt  }
tec
execute0_lowered:
.L_overlay_start_1:
0x0: {  	(tag) =	ssettag $0x1  }
0x1: {  	v0 =	vimm.s32 $0xFEDCBA98;
	v1 =	vimm.s32 $0x76543210  }
0x2: {  	s6 =	rddreg [dreg:$0x0];
	v3 =	vimm.s32 $0xBA987654;
	v4 =	vimm.s32 $0x10FEDCBA;
	v0 =	vunpack.c.l.s4.s8 v0  }
0x3: {  	s1 =	rddreg [dreg:$0x1];
	s3 =	srdreg.scid;
	v5 =	vimm.s32 $0x98765432;
	v6 =	vimm.s32 $0xFEDCBA9;
	v7 =	vimm.s32 $0x87654321  }
0x4: {  	s0 =	rddreg [dreg:$0x2];
	s2 =	stileid.u32;
	s11 =	simm.s32 $0x1480;
	v1 =	vunpack.c.l.s4.s8 v1;
	v2 =	vunpack.c.0.s8.s32 v0;
	v0 =	vimm.s32 $0x3210FEDC  }
0x5: {  	s12 =	simm.s32 $0x1;
	s13 =	simm.s32 $0x2;
	s14 =	simm.s32 $0x3;
	v3 =	vunpack.c.l.s4.s8 v3;
	v4 =	vunpack.c.l.s4.s8 v4;
	v0 =	vunpack.c.l.s4.s8 v0  }
0x6: {  	s15 =	simm.s32 $0x4;
	s16 =	simm.s32 $0x0;
	s5 =	sand.u32 $0x1, s3;
	v5 =	vunpack.c.l.s4.s8 v5;
	v6 =	vunpack.c.l.s4.s8 v6;
	v7 =	vunpack.c.l.s4.s8 v7  }
0x7: {  	s3 =	simm.s32 $0x0;
	s4 =	sshll.u32 s2, $0x6;
	s7 =	sshll.u32 s5, $0x5;
	v3 =	vunpack.c.0.s8.s32 v3;
	v4 =	vunpack.c.0.s8.s32 v4;
	v8 =	vunpack.c.0.s8.s32 v0  }
.Ltmp0:
0x8: {  	[smem:$0x7FF] =	sst s3;
	s4 =	sor.u32 s7, s4;
	v5 =	vunpack.c.0.s8.s32 v5;
	v6 =	vunpack.c.0.s8.s32 v6;
	v7 =	vunpack.c.0.s8.s32 v7;
	(pc) =	sbr.rel .LBB2_1-.Ltmp0, $4  }
0x9: {  	s8 =	ssub.s32 $0x2, s5;
	s5 =	sadd.s32 $0x1000, s6;
	v9 =	vunpack.c.0.s8.s32 v1;
	s7 =	sshll.u32 s4, $0x4;
	v0 =	vmov s4;
	v1 =	vcombine.low v3, v8  }
0xa: {  	s31 =	sshrl.u32 s8, $0x1;
	s9 =	sadd.s32 s7, s6;
	s6 =	sadd.s32 $0x20, s4;
	v8 =	vand.u32 $0xF, v2;
	v2 =	vcombine.low v5, v4;
	v3 =	vcombine.low v7, v6  }
0xb: {  	_ =	strace $0x80000047;
	s10 =	ssub.s32 s8, s31;
	s7 =	sadd.s32 $0x2000, s9;
	v4 =	vmov s6;
	v5 =	vimm.f32 $0.0e+00;
	v6 =	vcombine.low v8, v9  }
0xc: {  	s8 =	sadd.s32 $0x6000, s9;
	s9 =	smax.u32 s10, $0x1;
	s10 =	simm.s32 $0x480;
	v7 =	vand.u32 $0xF, v1;
	v8 =	vand.u32 $0xF, v2;
	v9 =	vand.u32 $0xF, v3  }
.LBB2_7:
0xd: {  	s16 =	sadd.s32 $0x1, s16  }
0xe: {  	p0 =	sne.s32 s16, s9  }
.Ltmp1:
0xf: {  	_ = 	snop;
	(pc) =	sbr.rel @!p0 .LBB2_8-.Ltmp1, $4  }
0x10: {  	[hbm4b:s8+s3] =	stream.linear.scatter [tilespmem:s10], [sflag:$0x4], $0x1000, $0x38;
	[tilespmem:$0x9480] =	vst v63  }
0x11: {  	_ =	swait.ge [sflag:s15], $0x1000  }
0x12: {  	[sflag:s15] =	ssyncset.done $0x0  }
0x13: {  	[sflag:s15] =	ssyncadd.s32 $0xFFFFF000  }
.LBB2_1:
0x14: {  	[tilespmem:s3], [sflag:$0x1] =	stream.linear.gather [hbm4b:s1+s3], $0x400, $0x38;
	[tilespmem:$0x9480] =	vst v63  }
0x15: {  	_ = 	snop  }
0x16: {  	[tilespmem:s10], [sflag:$0x2] =	stream.linear.gather [hbm4b:s7+s3], $0x1000, $0x38;
	[tilespmem:$0x9480] =	vst v63  }
0x17: {  	_ = 	snop  }
0x18: {  	[tilespmem:s11], [sflag:$0x3] =	stream.linear.gather [hbm4b:s5+s3], $0x8000, $0x38;
	[tilespmem:$0x9480] =	vst v63  }
0x19: {  	_ =	swait.ge [sflag:s12], $0x400  }
0x1a: {  	[sflag:s12] =	ssyncset.done $0x0  }
0x1b: {  	[sflag:s12] =	ssyncadd.s32 $0xFFFFFC00  }
0x1c: {  	_ =	swait.ge [sflag:s13], $0x1000  }
.Ltmp2:
0x1d: {  	[sflag:s13] =	ssyncset.done $0x0;
	(pc) =	sbr.rel .LBB2_2-.Ltmp2, $4  }
0x1e: {  	[sflag:s13] =	ssyncadd.s32 $0xFFFFF000  }
0x1f: {  	_ =	swait.ge [sflag:s14], $0x8000  }
0x20: {  	s17 =	simm.s32 $0x0;
	[sflag:s14] =	ssyncset.done $0x0  }
0x21: {  	s18 =	simm.s32 $0x0;
	s19 =	simm.s32 $0x0;
	[sflag:s14] =	ssyncadd.s32 $0xFFFF8000  }
.LBB2_6:
0x22: {  	s19 =	sadd.s32 $0x1, s19  }
0x23: {  	p0 =	sne.s32 s19, $0x40  }
.Ltmp3:
0x24: {  	_ = 	snop;
	(pc) =	sbr.rel @!p0 .LBB2_7-.Ltmp3, $2  }
0x25: {  	_ =	sdelay $0x2  }
0x26: {  	s18 =	sadd.s32 $0x10, s18;
	s17 =	sadd.s32 $0x200, s17  }
.LBB2_2:
0x27: {  	s20 =	sshll.u32 s19, $0x4  }
0x28: {  	v10 =	vld [tilespmem:s20+$0x0];
	_ =	sdelay $0x4  }
0x29: {  	vm0 =	vge.s32 v10, v0;
	vm1 =	vlt.s32 v10, v4  }
0x2a: {  	vm0 =	vmand vm0, vm1  }
0x2b: {  	v10 =	vsel vm0, $0x3F800000, v5  }
0x2c: {  	v11 =	vperm.xlane v10, v6;
	_ =	sdelay $0x1  }
0x2d: {  	v10 =	vadd.f32 v10, v11;
	_ =	sdelay $0x1  }
0x2e: {  	v11 =	vperm.xlane v10, v1;
	_ =	sdelay $0x1  }
0x2f: {  	v10 =	vadd.f32 v10, v11;
	_ =	sdelay $0x1  }
0x30: {  	v11 =	vperm.xlane v10, v2;
	_ =	sdelay $0x1  }
0x31: {  	v10 =	vadd.f32 v10, v11;
	_ =	sdelay $0x1  }
0x32: {  	v11 =	vperm.xlane v10, v3;
	_ =	sdelay $0x1  }
0x33: {  	v10 =	vadd.f32 v10, v11;
	_ =	sdelay $0x1  }
0x34: {  	(v2sf) =	vpush v10, $0x0;
	_ =	sdelay $0xe  }
0x35: {  	s31 =	spop (v2sf)  }
0x36: {  	p0 =	sgt.f32 s31, $5.000000000e-01  }
.Ltmp4:
0x37: {  	_ = 	snop;
	(pc) =	sbr.rel @!p0 .LBB2_6-.Ltmp4, $4  }
.Ltmp5:
0x38: {  	_ = 	snop;
	(pc) =	sbr.rel @p0 .LBB2_3-.Ltmp5, $4  }
0x39: {  	_ = 	snop  }
0x3a: {  	_ = 	snop  }
0x3b: {  	s21 =	smov.u32 s18;
	s20 =	simm.s32 $0x0  }
0x3c: {  	_ = 	snop  }
.LBB2_5:
0x3d: {  	s20 =	sadd.s32 $0x20, s20  }
0x3e: {  	p0 =	sne.s32 s20, $0x200  }
.Ltmp6:
0x3f: {  	_ = 	snop;
	(pc) =	sbr.rel @!p0 .LBB2_6-.Ltmp6, $2  }
0x40: {  	_ =	sdelay $0x2  }
0x41: {  	s21 =	sadd.s32 $0x1, s21  }
.LBB2_3:
0x42: {  	v10 =	vld [tilespmem:s21+$0x0];
	_ =	sdelay $0x4  }
0x43: {  	(v2sf) =	vpush v10, $0x0;
	_ =	sdelay $0xe  }
0x44: {  	s22 =	spop (v2sf)  }
0x45: {  	p0 =	slt.s32 s22, s4  }
0x46: {  	p1 =	sge.s32 @!p0 s22, s6  }
0x47: {  	p0 =	por p0, p1  }
.Ltmp7:
0x48: {  	_ = 	snop;
	(pc) =	sbr.rel @p0 .LBB2_5-.Ltmp7, $1  }
0x49: {  	_ =	sdelay $0x3  }
0x4a: {  	s23 =	sadd.s32 s20, s17  }
0x4b: {  	s24 =	sand.u32 $0x60, s20;
	s23 =	sand.u32 $0x7F80, s23  }
0x4c: {  	s23 =	sor.u32 s24, s23  }
0x4d: {  	v10 =	vld [tilespmem:s23+$0x1480];
	_ =	sdelay $0x1  }
0x4e: {  	v11 =	vld [tilespmem:s23+$0x1490];
	_ =	sdelay $0x2  }
0x4f: {  	v12 =	vshll.u32 v10, $0x10;
	v10 =	vand.u32 $0xFFFF0000, v10  }
0x50: {  	v13 =	vmul.f32 v12, v12;
	v14 =	vmul.f32 v10, v10  }
0x51: {  	v15 =	vshll.u32 v11, $0x10  }
0x52: {  	v50 =	vmul.f32 v15, v15;
	v13 =	vadd.f32 v14, v13  }
0x53: {  	v11 =	vand.u32 $0xFFFF0000, v11  }
0x54: {  	v51 =	vmul.f32 v11, v11;
	v13 =	vadd.f32 v50, v13;
	_ =	sdelay $0x1  }
0x55: {  	v13 =	vadd.f32 v13, v51;
	_ =	sdelay $0x1  }
0x56: {  	v14 =	vperm.xlane v13, v6;
	_ =	sdelay $0x1  }
0x57: {  	v13 =	vadd.f32 v13, v14;
	_ =	sdelay $0x1  }
0x58: {  	v14 =	vperm.xlane v13, v7;
	_ =	sdelay $0x1  }
0x59: {  	v13 =	vadd.f32 v13, v14;
	_ =	sdelay $0x1  }
0x5a: {  	v14 =	vperm.xlane v13, v8;
	_ =	sdelay $0x1  }
0x5b: {  	v13 =	vadd.f32 v13, v14;
	_ =	sdelay $0x1  }
0x5c: {  	v14 =	vperm.xlane v13, v9;
	_ =	sdelay $0x1  }
0x5d: {  	v13 =	vadd.f32 v13, v14;
	_ =	sdelay $0x1  }
0x5e: {  	v13 =	vmax.f32 v13, $1.000000020e-24  }
0x5f: {  	v52 =	vshra.s32 v13, $0x1;
	v13 =	vmul.f32 $5.000000000e-01, v13  }
0x60: {  	v14 =	vsub.s32 $0x5F3759DF, v52  }
0x61: {  	v16 =	vmul.f32 v14, v13;
	_ =	sdelay $0x1  }
0x62: {  	v16 =	vmul.f32 v14, v16;
	_ =	sdelay $0x1  }
0x63: {  	v16 =	vsub.f32 $1.500000000e+00, v16;
	_ =	sdelay $0x1  }
0x64: {  	v14 =	vmul.f32 v14, v16;
	_ =	sdelay $0x1  }
0x65: {  	v16 =	vmul.f32 v14, v13;
	_ =	sdelay $0x1  }
0x66: {  	v16 =	vmul.f32 v16, v14;
	_ =	sdelay $0x1  }
0x67: {  	v16 =	vsub.f32 $1.500000000e+00, v16;
	_ =	sdelay $0x1  }
0x68: {  	v14 =	vmul.f32 v16, v14  }
0x69: {  	s22 =	ssub.s32 s22, s4  }
0x6a: {  	s22 =	sshll.u32 s22, $0x9;
	v13 =	vmul.f32 v14, v13  }
0x6b: {  	s22 =	sshra.s32 s22, $0x2  }
0x6c: {  	v54 =	vld [tilespmem:s22+$0x490];
	v13 =	vmul.f32 v13, v14;
	_ =	sdelay $0x1  }
0x6d: {  	v53 =	vld [tilespmem:s22+$0x480];
	v13 =	vsub.f32 $1.500000000e+00, v13;
	_ =	sdelay $0x1  }
0x6e: {  	v17 =	vld [tilespmem:s22+$0x4A0];
	v13 =	vmul.f32 v13, v14  }
0x6f: {  	v16 =	vmul.f32 $9.499999880e-01, v54  }
0x70: {  	v18 =	vld [tilespmem:s22+$0x4B0];
	v12 =	vmul.f32 v12, v13;
	v10 =	vmul.f32 v10, v13  }
0x71: {  	v14 =	vmul.f32 $9.499999880e-01, v53;
	v15 =	vmul.f32 v15, v13  }
0x72: {  	v12 =	vmul.f32 $5.000000070e-02, v12;
	v10 =	vmul.f32 $5.000000070e-02, v10  }
0x73: {  	v56 =	vmul.f32 $9.499999880e-01, v17;
	v11 =	vmul.f32 v11, v13  }
0x74: {  	v55 =	vmul.f32 $5.000000070e-02, v15;
	v12 =	vadd.f32 v12, v14;
	v10 =	vadd.f32 v10, v16  }
0x75: {  	v57 =	vmul.f32 $9.499999880e-01, v18;
	v11 =	vmul.f32 $5.000000070e-02, v11  }
0x76: {  	v13 =	vadd.f32 v55, v56;
	v58 =	vmul.f32 v12, v12;
	v16 =	vmul.f32 v10, v10;
	_ =	sdelay $0x1  }
0x77: {  	v11 =	vadd.f32 v11, v57;
	v59 =	vmul.f32 v13, v13;
	v14 =	vadd.f32 v16, v58;
	_ =	sdelay $0x1  }
0x78: {  	v60 =	vmul.f32 v11, v11;
	v14 =	vadd.f32 v14, v59;
	_ =	sdelay $0x1  }
0x79: {  	v14 =	vadd.f32 v14, v60;
	_ =	sdelay $0x1  }
0x7a: {  	v15 =	vperm.xlane v14, v6;
	_ =	sdelay $0x1  }
0x7b: {  	v14 =	vadd.f32 v14, v15;
	_ =	sdelay $0x1  }
0x7c: {  	v15 =	vperm.xlane v14, v7;
	_ =	sdelay $0x1  }
0x7d: {  	v14 =	vadd.f32 v14, v15;
	_ =	sdelay $0x1  }
0x7e: {  	v15 =	vperm.xlane v14, v8;
	_ =	sdelay $0x1  }
0x7f: {  	v14 =	vadd.f32 v14, v15;
	_ =	sdelay $0x1  }
0x80: {  	v15 =	vperm.xlane v14, v9;
	_ =	sdelay $0x1  }
0x81: {  	v14 =	vadd.f32 v14, v15;
	_ =	sdelay $0x1  }
0x82: {  	v14 =	vmax.f32 v14, $1.000000020e-24  }
0x83: {  	v61 =	vshra.s32 v14, $0x1;
	v14 =	vmul.f32 $5.000000000e-01, v14  }
0x84: {  	v15 =	vsub.s32 $0x5F3759DF, v61  }
0x85: {  	v62 =	vmul.f32 v15, v14;
	_ =	sdelay $0x1  }
0x86: {  	v16 =	vmul.f32 v15, v62;
	_ =	sdelay $0x1  }
0x87: {  	v16 =	vsub.f32 $1.500000000e+00, v16;
	_ =	sdelay $0x1  }
0x88: {  	v15 =	vmul.f32 v15, v16;
	_ =	sdelay $0x1  }
0x89: {  	v16 =	vmul.f32 v15, v14;
	_ =	sdelay $0x1  }
0x8a: {  	v16 =	vmul.f32 v16, v15;
	_ =	sdelay $0x1  }
0x8b: {  	v16 =	vsub.f32 $1.500000000e+00, v16;
	_ =	sdelay $0x1  }
0x8c: {  	v15 =	vmul.f32 v16, v15;
	_ =	sdelay $0x1  }
0x8d: {  	v14 =	vmul.f32 v15, v14;
	_ =	sdelay $0x1  }
0x8e: {  	v14 =	vmul.f32 v14, v15;
	_ =	sdelay $0x1  }
0x8f: {  	v14 =	vsub.f32 $1.500000000e+00, v14;
	_ =	sdelay $0x1  }
0x90: {  	v14 =	vmul.f32 v14, v15;
	_ =	sdelay $0x1  }
0x91: {  	v12 =	vmul.f32 v14, v12  }
.Ltmp8:
0x92: {  	v10 =	vmul.f32 v14, v10;
	(pc) =	sbr.rel .LBB2_5-.Ltmp8, $4  }
0x93: {  	v63 =	vmul.f32 v14, v13;
	[tilespmem:s22+$0x480] =	vst v12  }
0x94: {  	[tilespmem:s22+$0x490] =	vst v10;
	v10 =	vmul.f32 v14, v11  }
0x95: {  	[tilespmem:s22+$0x4A0] =	vst v63  }
0x96: {  	[tilespmem:s22+$0x4B0] =	vst v10  }
.LBB2_8:
0x97: {  	_ =	sfence.sel $0x180000  }
0x98: {  	[bflag:$0x0] =	sbarrier.arrive $0xFFFF  }
0x99: {  	p0 =	sne.s32 s2, $0x0;
	_ =	strace $0x90000047  }
0x9a: {  	s0 =	sadd.s32 @!p0 $0x100000, s0;
	[bflag:$0x2] =	sbarrier.arrive $0xFFFF  }
0x9b: {  	[sflag:s0] =	ssyncadd.tile.s32 @!p0 $0x1;
	_ =	shalt  }
.Lfunc_end2:
_tile_overlayer_lowered:
.L_overlay_start_2:
0x9c: {  	(tag) =	ssettag $0x2  }
0x9d: {  	s0 =	rddreg [dreg:$0x0];
	s2 =	stileid.u32  }
0x9e: {  	s1 =	rddreg [dreg:$0x1];
	p0 =	sne.s32 s2, $0x0  }
0x9f: {  	s3 =	rddreg [dreg:$0x2];
	[bflag:$0x3] =	sbarrier.arrive $0xFFFF;
	s2 =	simm.s32 @!p0 $0x1C04  }
0xa0: {  	[timem:s3], [sflag:s2] =	dma.local @!p0 [hbm:s0], s1  }
0xa1: {  	s0 =	simm.s32 @!p0 $0x4  }
0xa2: {  	_ =	swait.ge @!p0 [sflag:s0], s1  }
0xa3: {  	s1 =	ssub.s32 @!p0 $0x0, s1;
	[sflag:s0] =	ssyncset.done @!p0 $0x0  }
0xa4: {  	[sflag:s0] =	ssyncadd.s32 @!p0 s1  }
0xa5: {  	[bflag:$0x3] =	sbarrier.arrive $0xFFFF  }
0xa6: {  	_ =	shalt  }

</sc_bundles>
